<compile_context>
chip_gen: v7x
topology: tpu7x:2x2x1
jax: 0.10.2.dev20260603
libtpu: 0.0.44.dev20260713+nightly
codegen_flags: <defaults>
</compile_context>

<pallas_src>
import functools

import jax
import jax.numpy as jnp
from jax import lax
from jax.experimental import pallas as pl
from jax.experimental.pallas import tpu as pltpu
from jax.experimental.pallas import tpu_sc as plsc

E = 8
TOPK = 2
H = 1024
I = 3584
T = 2048
TK = T * TOPK
BM = 512
BMS = BM - 8
SMAX = -(-T // BMS)
NITEMS = 16
BI = 896
NI = I // BI


def _router_body(x_ref, wg_ref, idx_ref, w_ref):
    x = x_ref[...]
    wg = wg_ref[...]
    logits = lax.dot_general(x, wg, (((1,), (1,)), ((), ())),
                             preferred_element_type=jnp.float32)
    eio = lax.broadcasted_iota(jnp.int32, (T, E), 1)
    m1 = jnp.max(logits, axis=1, keepdims=True)
    i1 = jnp.min(jnp.where(logits == m1, eio, E), axis=1, keepdims=True)
    l2 = jnp.where(eio == i1, -jnp.inf, logits)
    m2 = jnp.max(l2, axis=1, keepdims=True)
    i2 = jnp.min(jnp.where(l2 == m2, eio, E), axis=1, keepdims=True)
    w1 = 1.0 / (1.0 + jnp.exp(m2 - m1))
    w2 = 1.0 - w1
    zi = jnp.zeros((T, 126), jnp.int32)
    zf = jnp.zeros((T, 126), jnp.float32)
    idx_ref[...] = jnp.concatenate([i1, i2, zi], axis=1)
    w_ref[...] = jnp.concatenate([w1, w2, zf], axis=1)


def _router(x, wg):
    return pl.pallas_call(
        _router_body,
        out_shape=(jax.ShapeDtypeStruct((T, 128), jnp.int32),
                   jax.ShapeDtypeStruct((T, 128), jnp.float32)),
    )(x, wg)


def _plan_dispatch(i1, i2):
    e_flat = jnp.concatenate([i1, i2]).astype(jnp.int32)
    oh = (e_flat[:, None] ==
          jnp.arange(E, dtype=jnp.int32)[None, :]).astype(jnp.int32)
    csum = jnp.cumsum(oh, axis=0)
    counts = csum[-1]
    gs = jnp.concatenate([jnp.zeros((1,), jnp.int32),
                          jnp.cumsum(counts)]).astype(jnp.int32)
    rank = jnp.sum(oh * csum, axis=1) - 1
    base_e = jnp.sum(oh * gs[None, :E], axis=1)
    inv = base_e + rank
    pos0, pos1 = inv[:T], inv[T:]
    tok = jnp.concatenate([jnp.arange(T, dtype=jnp.int32)] * 2)
    sorted_t = jnp.zeros((TK,), jnp.int32).at[inv].set(tok)
    ss = jnp.arange(SMAX, dtype=jnp.int32)[None, :]
    plo = gs[:E, None] + ss * BMS
    phi = jnp.minimum(gs[1:, None], plo + BMS)
    valid = plo < gs[1:, None]
    pbase = jnp.minimum((plo // 8) * 8, TK - BM)
    slot = jnp.where(valid,
                     jnp.cumsum(valid.ravel()).reshape(E, SMAX).astype(jnp.int32) - 1,
                     NITEMS)
    pad_e = jnp.max(e_flat)
    sl = slot.ravel()
    ee = jnp.broadcast_to(jnp.arange(E, dtype=jnp.int32)[:, None], (E, SMAX)).ravel()
    item_base = jnp.zeros((NITEMS,), jnp.int32).at[sl].set(pbase.ravel() // 8,
                                                           mode='drop')
    item_e = jnp.broadcast_to(pad_e, (NITEMS,)).astype(jnp.int32).at[sl].set(ee, mode='drop')
    item_lo = jnp.zeros((NITEMS,), jnp.int32).at[sl].set(plo.ravel(), mode='drop')
    item_hi = jnp.zeros((NITEMS,), jnp.int32).at[sl].set(phi.ravel(), mode='drop')
    return sorted_t, pos0, pos1, item_base, item_e, item_lo, item_hi


def _sc_gather_rows(table, idx):
    v, d = table.shape
    bsz = idx.shape[0]
    info = plsc.get_sparse_core_info()
    nw = info.num_cores * info.num_subcores
    rpw = bsz // nw
    ch = min(32, rpw)
    nch = rpw // ch
    mesh = plsc.VectorSubcoreMesh(core_axis_name="c", subcore_axis_name="s")

    @functools.partial(
        pl.kernel, mesh=mesh,
        out_type=jax.ShapeDtypeStruct((bsz, d), jnp.float32),
        scratch_types=[pltpu.VMEM((rpw,), jnp.int32),
                       pltpu.VMEM((ch, d), jnp.float32),
                       pltpu.VMEM((ch, d), jnp.float32),
                       pltpu.SemaphoreType.DMA,
                       pltpu.SemaphoreType.DMA],
    )
    def k(table_hbm, idx_hbm, out_hbm, idx_v, r0, r1, s0, s1):
        wid = lax.axis_index("s") * info.num_cores + lax.axis_index("c")
        base = wid * rpw
        pltpu.sync_copy(idx_hbm.at[pl.ds(base, rpw)], idx_v)
        bufs, sems = (r0, r1), (s0, s1)
        descs = [None] * nch
        descs[0] = pltpu.async_copy(
            table_hbm.at[idx_v.at[pl.ds(0, ch)]], r0, s0)
        for c in range(nch):
            if c + 1 < nch:
                descs[c + 1] = pltpu.async_copy(
                    table_hbm.at[idx_v.at[pl.ds((c + 1) * ch, ch)]],
                    bufs[(c + 1) % 2], sems[(c + 1) % 2])
            descs[c].wait()
            pltpu.sync_copy(bufs[c % 2], out_hbm.at[pl.ds(base + c * ch, ch)])

    return k(table, idx)


def _ffn_body(base_ref, e_ref, lo_ref, hi_ref,
              xs_ref, w1_ref, w3_ref, w2_ref, out_ref):
    i = pl.program_id(0)
    j = pl.program_id(1)

    @pl.when(hi_ref[j] > lo_ref[j])
    def _():
        base = base_ref[j] * 8
        x = xs_ref[pl.ds(base, BM), :]
        w1 = w1_ref[0]
        w3 = w3_ref[0]
        g = lax.dot_general(x, w1, (((1,), (1,)), ((), ())),
                            preferred_element_type=jnp.float32)
        u = lax.dot_general(x, w3, (((1,), (1,)), ((), ())),
                            preferred_element_type=jnp.float32)
        act = g * (1.0 / (1.0 + jnp.exp(-g))) * u
        w2 = w2_ref[0]
        part = lax.dot_general(act, w2, (((1,), (1,)), ((), ())),
                               preferred_element_type=jnp.float32)

        rows = base + lax.broadcasted_iota(jnp.int32, (BM, 1), 0)
        mask = (rows >= lo_ref[j]) & (rows < hi_ref[j])
        cur = out_ref[pl.ds(base, BM), :]

        @pl.when(i == 0)
        def _():
            out_ref[pl.ds(base, BM), :] = jnp.where(mask, part, cur)

        @pl.when(i > 0)
        def _():
            out_ref[pl.ds(base, BM), :] = jnp.where(mask, cur + part, cur)


def _ffn(item_rb, item_e, item_lo, item_hi, xs, w1, w3, w2):
    grid_spec = pltpu.PrefetchScalarGridSpec(
        num_scalar_prefetch=4,
        grid=(NI, NITEMS),
        in_specs=[
            pl.BlockSpec((TK, H), lambda i, j, rb, e, lo, hi: (0, 0)),
            pl.BlockSpec((1, BI, H), lambda i, j, rb, e, lo, hi: (e[j], i, 0)),
            pl.BlockSpec((1, BI, H), lambda i, j, rb, e, lo, hi: (e[j], i, 0)),
            pl.BlockSpec((1, H, BI), lambda i, j, rb, e, lo, hi: (e[j], 0, i)),
        ],
        out_specs=pl.BlockSpec((TK, H), lambda i, j, rb, e, lo, hi: (0, 0)),
    )
    return pl.pallas_call(
        _ffn_body,
        grid_spec=grid_spec,
        out_shape=jax.ShapeDtypeStruct((TK, H), jnp.float32),
        compiler_params=pltpu.CompilerParams(
            vmem_limit_bytes=60 * 1024 * 1024),
    )(item_rb, item_e, item_lo, item_hi, xs, w1, w3, w2)


def _combine_body(z0_ref, z1_ref, w_ref, out_ref):
    w0 = w_ref[:, 0:1]
    w1 = w_ref[:, 1:2]
    out_ref[...] = w0 * z0_ref[...] + w1 * z1_ref[...]


def _combine(z, w_pad):
    nblk = T // BM
    return pl.pallas_call(
        _combine_body,
        grid=(nblk,),
        in_specs=[
            pl.BlockSpec((BM, H), lambda i: (i, 0)),
            pl.BlockSpec((BM, H), lambda i, _n=nblk: (i + _n, 0)),
            pl.BlockSpec((BM, 128), lambda i: (i, 0)),
        ],
        out_specs=pl.BlockSpec((BM, H), lambda i: (i, 0)),
        out_shape=jax.ShapeDtypeStruct((T, H), jnp.float32),
    )(z, z, w_pad)


def kernel(hidden_states, Wg, W1, W3, W2):
    x = hidden_states.reshape(T, H)
    idx_pad, w_pad = _router(x, Wg)
    i1, i2 = idx_pad[:, 0], idx_pad[:, 1]
    sorted_t, pos0, pos1, item_rb, item_e, item_lo, item_hi = \
        _plan_dispatch(i1, i2)
    xs = _sc_gather_rows(x, sorted_t)
    y_sorted = _ffn(item_rb, item_e, item_lo, item_hi, xs, W1, W3, W2)
    z = _sc_gather_rows(y_sorted, jnp.concatenate([pos0, pos1]))
    out = _combine(z, w_pad)
    return out.reshape(hidden_states.shape)

# --- scband reference (transcript-rebuilt; emitter-appended) ---
"""Pipeline reference for scband-mixtral-model-26379689132542 (READ-ONLY COPY).

The authoritative reference and input builder live on the scoring server;
editing this copy changes nothing except your own understanding.
"""

import jax, jax.numpy as jnp
import numpy as np

E = 8      # num_experts
K = 2      # top_k
H = 1024   # hidden_size
I = 3584   # intermediate_size
T = 2048   # tokens = batch(1) * seq_len(2048)


def setup_inputs(seed: int = 0) -> dict:
    key = jax.random.key(seed)
    k1, k2, k3, k4, k5 = jax.random.split(key, 5)
    hidden_states = jax.random.normal(k1, (T, H), dtype=jnp.float32)
    # gate (ReplicatedLinear, bias=False): [E, H]
    Wg = jax.random.normal(k2, (E, H), dtype=jnp.float32) * 0.02
    # FusedMoE expert weights: w1 (gate proj) [E, I, H], w3 (up proj) [E, I, H], w2 (down proj) [E, H, I]
    W1 = jax.random.normal(k3, (E, I, H), dtype=jnp.float32) * 0.02
    W3 = jax.random.normal(k4, (E, I, H), dtype=jnp.float32) * 0.02
    W2 = jax.random.normal(k5, (E, H, I), dtype=jnp.float32) * 0.02
    return {"hidden_states": hidden_states, "Wg": Wg, "W1": W1, "W3": W3, "W2": W2}


def reference(hidden_states, Wg, W1, W3, W2):
    # MixtralMoE.forward: gate -> router_logits -> fused MoE (softmax, top-k, renormalize, SwiGLU experts, weighted sum)
    x = hidden_states.reshape(-1, H)
    router_logits = x @ Wg.T                     # [T, E]
    probs = jax.nn.softmax(router_logits, axis=-1)
    topk_vals, topk_idx = jax.lax.top_k(probs, K)  # [T, K]
    # renormalize=True
    topk_vals = topk_vals / jnp.sum(topk_vals, axis=-1, keepdims=True)
    # scatter top-k weights back to full expert dimension [T, E]
    w_full = jnp.sum(jax.nn.one_hot(topk_idx, E, dtype=x.dtype) * topk_vals[..., None], axis=1)
    # expert computation (dense form, mathematically identical to dispatch): SwiGLU per expert
    g = jnp.einsum('th,eih->tei', x, W1)         # gate proj
    u = jnp.einsum('th,eih->tei', x, W3)         # up proj
    act = jax.nn.silu(g) * u                     # [T, E, I]
    y = jnp.einsum('tei,ehi->teh', act, W2)      # down proj [T, E, H]
    out = jnp.einsum('teh,te->th', y, w_full)    # weighted combine over selected experts
    return out.reshape(hidden_states.shape)

if __name__ == "__main__":
    import jax
    _d = setup_inputs()
    print(jax.jit(kernel)(*tuple(_d.values())))

</pallas_src>

<mosaic_0001>
#map = affine_map<(d0, d1) -> (0, 0)>
#map1 = affine_map<(d0, d1) -> (0)>
module attributes {stable_mosaic.version = 14 : i64} {
  func.func @k(%arg0: i32, %arg1: i32, %arg2: memref<4096x1024xf32, #tpu.memory_space<hbm>>, %arg3: memref<4096xi32, #tpu.memory_space<hbm>>, %arg4: memref<4096x1024xf32, #tpu.memory_space<hbm>>, %arg5: memref<128xi32, #tpu.memory_space<vmem>>, %arg6: memref<32x1024xf32, #tpu.memory_space<vmem>>, %arg7: memref<32x1024xf32, #tpu.memory_space<vmem>>, %arg8: memref<!tpu.dma_semaphore, #tpu.memory_space<semaphore_mem>>, %arg9: memref<!tpu.dma_semaphore, #tpu.memory_space<semaphore_mem>>) attributes {dimension_semantics = [#tpu.dimension_semantics<core_parallel>, #tpu.dimension_semantics<subcore_parallel>], iteration_bounds = array<i64: 2, 16>, scalar_prefetch = 0 : i64, scratch_operands = 5 : i64, tpu.core_type = #tpu.core_type<sc_vector_subcore>, window_params = [{transform_indices = #map}, {transform_indices = #map1}, {transform_indices = #map}]} {
    %mul3A = arith.constant 2 : i32
    %mul3A_0 = arith.muli %arg1, %mul3A : i32
    %add3A = arith.addi %mul3A_0, %arg0 : i32
    %mul3A_1 = arith.constant 128 : i32
    %mul3A_2 = arith.muli %add3A, %mul3A_1 : i32
    "tpu.region"() ({
      %run_scoped3A = tpu.sem_alloc : memref<!tpu.dma_semaphore, #tpu.memory_space<semaphore_mem>>
      %dma_start3A_49 = tpu.memref_slice %arg3[%mul3A_2] : memref<4096xi32, #tpu.memory_space<hbm>> -> memref<128xi32, #tpu.memory_space<hbm>>
      %dma_start3A_50 = tpu.memref_slice %arg3[%mul3A_2] : memref<4096xi32, #tpu.memory_space<hbm>> -> memref<128xi32, #tpu.memory_space<hbm>>
      tpu.enqueue_dma source(%dma_start3A_50 : memref<128xi32, #tpu.memory_space<hbm>>) target(%arg5 : memref<128xi32, #tpu.memory_space<vmem>>) target_semaphore(%run_scoped3A : memref<!tpu.dma_semaphore, #tpu.memory_space<semaphore_mem>>)
      %dma_wait3A_51 = tpu.memref_slice %arg3[%mul3A_2] : memref<4096xi32, #tpu.memory_space<hbm>> -> memref<128xi32, #tpu.memory_space<hbm>>
      %dma_wait3A_52 = tpu.memref_slice %arg3[%mul3A_2] : memref<4096xi32, #tpu.memory_space<hbm>> -> memref<128xi32, #tpu.memory_space<hbm>>
      tpu.wait_dma2 semaphore(%run_scoped3A : memref<!tpu.dma_semaphore, #tpu.memory_space<semaphore_mem>>) src(%dma_wait3A_52 : memref<128xi32, #tpu.memory_space<hbm>>) dst(%arg5 : memref<128xi32, #tpu.memory_space<vmem>>)
      tpu.yield
    }) : () -> ()
    %dma_start3A = arith.constant 0 : i32
    %dma_start3A_3 = tpu.memref_slice %arg5[%dma_start3A] : memref<128xi32, #tpu.memory_space<vmem>> -> memref<32xi32, #tpu.memory_space<vmem>>
    %dma_start3A_4 = arith.constant 0 : i32
    %dma_start3A_5 = arith.constant 0 : i32
    %dma_start3A_6 = tpu.memref_slice %arg2[%dma_start3A_4, %dma_start3A_5] : memref<4096x1024xf32, #tpu.memory_space<hbm>> -> memref<4096x1024xf32, #tpu.memory_space<hbm>>
    tpu.enqueue_indirect_dma source(%dma_start3A_6 : memref<4096x1024xf32, #tpu.memory_space<hbm>>) target(%arg6 : memref<32x1024xf32, #tpu.memory_space<vmem>>) offsets(%dma_start3A_3 : memref<32xi32, #tpu.memory_space<vmem>>) semaphore(%arg8 : memref<!tpu.dma_semaphore, #tpu.memory_space<semaphore_mem>>)
    %dma_start3A_7 = arith.constant 32 : i32
    %dma_start3A_8 = tpu.memref_slice %arg5[%dma_start3A_7] : memref<128xi32, #tpu.memory_space<vmem>> -> memref<32xi32, #tpu.memory_space<vmem>>
    %dma_start3A_9 = arith.constant 0 : i32
    %dma_start3A_10 = arith.constant 0 : i32
    %dma_start3A_11 = tpu.memref_slice %arg2[%dma_start3A_9, %dma_start3A_10] : memref<4096x1024xf32, #tpu.memory_space<hbm>> -> memref<4096x1024xf32, #tpu.memory_space<hbm>>
    tpu.enqueue_indirect_dma source(%dma_start3A_11 : memref<4096x1024xf32, #tpu.memory_space<hbm>>) target(%arg7 : memref<32x1024xf32, #tpu.memory_space<vmem>>) offsets(%dma_start3A_8 : memref<32xi32, #tpu.memory_space<vmem>>) semaphore(%arg9 : memref<!tpu.dma_semaphore, #tpu.memory_space<semaphore_mem>>)
    %dma_wait3A = arith.constant 0 : i32
    %dma_wait3A_12 = tpu.memref_slice %arg5[%dma_wait3A] : memref<128xi32, #tpu.memory_space<vmem>> -> memref<32xi32, #tpu.memory_space<vmem>>
    %dma_wait3A_13 = arith.constant 0 : i32
    %dma_wait3A_14 = arith.constant 0 : i32
    %dma_wait3A_15 = tpu.memref_slice %arg2[%dma_wait3A_13, %dma_wait3A_14] : memref<4096x1024xf32, #tpu.memory_space<hbm>> -> memref<4096x1024xf32, #tpu.memory_space<hbm>>
    tpu.wait_indirect_dma semaphore(%arg8 : memref<!tpu.dma_semaphore, #tpu.memory_space<semaphore_mem>>) src(%dma_wait3A_15 : memref<4096x1024xf32, #tpu.memory_space<hbm>>) dst(%arg6 : memref<32x1024xf32, #tpu.memory_space<vmem>>)
    %add3A_16 = arith.constant 0 : i32
    %add3A_17 = arith.addi %mul3A_2, %add3A_16 : i32
    "tpu.region"() ({
      %run_scoped3A = tpu.sem_alloc : memref<!tpu.dma_semaphore, #tpu.memory_space<semaphore_mem>>
      %dma_start3A_49 = arith.constant 0 : i32
      %dma_start3A_50 = tpu.memref_slice %arg4[%add3A_17, %dma_start3A_49] : memref<4096x1024xf32, #tpu.memory_space<hbm>> -> memref<32x1024xf32, #tpu.memory_space<hbm>>
      %dma_start3A_51 = arith.constant 0 : i32
      %dma_start3A_52 = tpu.memref_slice %arg4[%add3A_17, %dma_start3A_51] : memref<4096x1024xf32, #tpu.memory_space<hbm>> -> memref<32x1024xf32, #tpu.memory_space<hbm>>
      tpu.enqueue_dma source(%arg6 : memref<32x1024xf32, #tpu.memory_space<vmem>>) target(%dma_start3A_52 : memref<32x1024xf32, #tpu.memory_space<hbm>>) target_semaphore(%run_scoped3A : memref<!tpu.dma_semaphore, #tpu.memory_space<semaphore_mem>>)
      %dma_wait3A_53 = arith.constant 0 : i32
      %dma_wait3A_54 = tpu.memref_slice %arg4[%add3A_17, %dma_wait3A_53] : memref<4096x1024xf32, #tpu.memory_space<hbm>> -> memref<32x1024xf32, #tpu.memory_space<hbm>>
      %dma_wait3A_55 = arith.constant 0 : i32
      %dma_wait3A_56 = tpu.memref_slice %arg4[%add3A_17, %dma_wait3A_55] : memref<4096x1024xf32, #tpu.memory_space<hbm>> -> memref<32x1024xf32, #tpu.memory_space<hbm>>
      tpu.wait_dma2 semaphore(%run_scoped3A : memref<!tpu.dma_semaphore, #tpu.memory_space<semaphore_mem>>) src(%arg6 : memref<32x1024xf32, #tpu.memory_space<vmem>>) dst(%dma_wait3A_56 : memref<32x1024xf32, #tpu.memory_space<hbm>>)
      tpu.yield
    }) : () -> ()
    %dma_start3A_18 = arith.constant 64 : i32
    %dma_start3A_19 = tpu.memref_slice %arg5[%dma_start3A_18] : memref<128xi32, #tpu.memory_space<vmem>> -> memref<32xi32, #tpu.memory_space<vmem>>
    %dma_start3A_20 = arith.constant 0 : i32
    %dma_start3A_21 = arith.constant 0 : i32
    %dma_start3A_22 = tpu.memref_slice %arg2[%dma_start3A_20, %dma_start3A_21] : memref<4096x1024xf32, #tpu.memory_space<hbm>> -> memref<4096x1024xf32, #tpu.memory_space<hbm>>
    tpu.enqueue_indirect_dma source(%dma_start3A_22 : memref<4096x1024xf32, #tpu.memory_space<hbm>>) target(%arg6 : memref<32x1024xf32, #tpu.memory_space<vmem>>) offsets(%dma_start3A_19 : memref<32xi32, #tpu.memory_space<vmem>>) semaphore(%arg8 : memref<!tpu.dma_semaphore, #tpu.memory_space<semaphore_mem>>)
    %dma_wait3A_23 = arith.constant 32 : i32
    %dma_wait3A_24 = tpu.memref_slice %arg5[%dma_wait3A_23] : memref<128xi32, #tpu.memory_space<vmem>> -> memref<32xi32, #tpu.memory_space<vmem>>
    %dma_wait3A_25 = arith.constant 0 : i32
    %dma_wait3A_26 = arith.constant 0 : i32
    %dma_wait3A_27 = tpu.memref_slice %arg2[%dma_wait3A_25, %dma_wait3A_26] : memref<4096x1024xf32, #tpu.memory_space<hbm>> -> memref<4096x1024xf32, #tpu.memory_space<hbm>>
    tpu.wait_indirect_dma semaphore(%arg9 : memref<!tpu.dma_semaphore, #tpu.memory_space<semaphore_mem>>) src(%dma_wait3A_27 : memref<4096x1024xf32, #tpu.memory_space<hbm>>) dst(%arg7 : memref<32x1024xf32, #tpu.memory_space<vmem>>)
    %add3A_28 = arith.constant 32 : i32
    %add3A_29 = arith.addi %mul3A_2, %add3A_28 : i32
    "tpu.region"() ({
      %run_scoped3A = tpu.sem_alloc : memref<!tpu.dma_semaphore, #tpu.memory_space<semaphore_mem>>
      %dma_start3A_49 = arith.constant 0 : i32
      %dma_start3A_50 = tpu.memref_slice %arg4[%add3A_29, %dma_start3A_49] : memref<4096x1024xf32, #tpu.memory_space<hbm>> -> memref<32x1024xf32, #tpu.memory_space<hbm>>
      %dma_start3A_51 = arith.constant 0 : i32
      %dma_start3A_52 = tpu.memref_slice %arg4[%add3A_29, %dma_start3A_51] : memref<4096x1024xf32, #tpu.memory_space<hbm>> -> memref<32x1024xf32, #tpu.memory_space<hbm>>
      tpu.enqueue_dma source(%arg7 : memref<32x1024xf32, #tpu.memory_space<vmem>>) target(%dma_start3A_52 : memref<32x1024xf32, #tpu.memory_space<hbm>>) target_semaphore(%run_scoped3A : memref<!tpu.dma_semaphore, #tpu.memory_space<semaphore_mem>>)
      %dma_wait3A_53 = arith.constant 0 : i32
      %dma_wait3A_54 = tpu.memref_slice %arg4[%add3A_29, %dma_wait3A_53] : memref<4096x1024xf32, #tpu.memory_space<hbm>> -> memref<32x1024xf32, #tpu.memory_space<hbm>>
      %dma_wait3A_55 = arith.constant 0 : i32
      %dma_wait3A_56 = tpu.memref_slice %arg4[%add3A_29, %dma_wait3A_55] : memref<4096x1024xf32, #tpu.memory_space<hbm>> -> memref<32x1024xf32, #tpu.memory_space<hbm>>
      tpu.wait_dma2 semaphore(%run_scoped3A : memref<!tpu.dma_semaphore, #tpu.memory_space<semaphore_mem>>) src(%arg7 : memref<32x1024xf32, #tpu.memory_space<vmem>>) dst(%dma_wait3A_56 : memref<32x1024xf32, #tpu.memory_space<hbm>>)
      tpu.yield
    }) : () -> ()
    %dma_start3A_30 = arith.constant 96 : i32
    %dma_start3A_31 = tpu.memref_slice %arg5[%dma_start3A_30] : memref<128xi32, #tpu.memory_space<vmem>> -> memref<32xi32, #tpu.memory_space<vmem>>
    %dma_start3A_32 = arith.constant 0 : i32
    %dma_start3A_33 = arith.constant 0 : i32
    %dma_start3A_34 = tpu.memref_slice %arg2[%dma_start3A_32, %dma_start3A_33] : memref<4096x1024xf32, #tpu.memory_space<hbm>> -> memref<4096x1024xf32, #tpu.memory_space<hbm>>
    tpu.enqueue_indirect_dma source(%dma_start3A_34 : memref<4096x1024xf32, #tpu.memory_space<hbm>>) target(%arg7 : memref<32x1024xf32, #tpu.memory_space<vmem>>) offsets(%dma_start3A_31 : memref<32xi32, #tpu.memory_space<vmem>>) semaphore(%arg9 : memref<!tpu.dma_semaphore, #tpu.memory_space<semaphore_mem>>)
    %dma_wait3A_35 = arith.constant 64 : i32
    %dma_wait3A_36 = tpu.memref_slice %arg5[%dma_wait3A_35] : memref<128xi32, #tpu.memory_space<vmem>> -> memref<32xi32, #tpu.memory_space<vmem>>
    %dma_wait3A_37 = arith.constant 0 : i32
    %dma_wait3A_38 = arith.constant 0 : i32
    %dma_wait3A_39 = tpu.memref_slice %arg2[%dma_wait3A_37, %dma_wait3A_38] : memref<4096x1024xf32, #tpu.memory_space<hbm>> -> memref<4096x1024xf32, #tpu.memory_space<hbm>>
    tpu.wait_indirect_dma semaphore(%arg8 : memref<!tpu.dma_semaphore, #tpu.memory_space<semaphore_mem>>) src(%dma_wait3A_39 : memref<4096x1024xf32, #tpu.memory_space<hbm>>) dst(%arg6 : memref<32x1024xf32, #tpu.memory_space<vmem>>)
    %add3A_40 = arith.constant 64 : i32
    %add3A_41 = arith.addi %mul3A_2, %add3A_40 : i32
    "tpu.region"() ({
      %run_scoped3A = tpu.sem_alloc : memref<!tpu.dma_semaphore, #tpu.memory_space<semaphore_mem>>
      %dma_start3A_49 = arith.constant 0 : i32
      %dma_start3A_50 = tpu.memref_slice %arg4[%add3A_41, %dma_start3A_49] : memref<4096x1024xf32, #tpu.memory_space<hbm>> -> memref<32x1024xf32, #tpu.memory_space<hbm>>
      %dma_start3A_51 = arith.constant 0 : i32
      %dma_start3A_52 = tpu.memref_slice %arg4[%add3A_41, %dma_start3A_51] : memref<4096x1024xf32, #tpu.memory_space<hbm>> -> memref<32x1024xf32, #tpu.memory_space<hbm>>
      tpu.enqueue_dma source(%arg6 : memref<32x1024xf32, #tpu.memory_space<vmem>>) target(%dma_start3A_52 : memref<32x1024xf32, #tpu.memory_space<hbm>>) target_semaphore(%run_scoped3A : memref<!tpu.dma_semaphore, #tpu.memory_space<semaphore_mem>>)
      %dma_wait3A_53 = arith.constant 0 : i32
      %dma_wait3A_54 = tpu.memref_slice %arg4[%add3A_41, %dma_wait3A_53] : memref<4096x1024xf32, #tpu.memory_space<hbm>> -> memref<32x1024xf32, #tpu.memory_space<hbm>>
      %dma_wait3A_55 = arith.constant 0 : i32
      %dma_wait3A_56 = tpu.memref_slice %arg4[%add3A_41, %dma_wait3A_55] : memref<4096x1024xf32, #tpu.memory_space<hbm>> -> memref<32x1024xf32, #tpu.memory_space<hbm>>
      tpu.wait_dma2 semaphore(%run_scoped3A : memref<!tpu.dma_semaphore, #tpu.memory_space<semaphore_mem>>) src(%arg6 : memref<32x1024xf32, #tpu.memory_space<vmem>>) dst(%dma_wait3A_56 : memref<32x1024xf32, #tpu.memory_space<hbm>>)
      tpu.yield
    }) : () -> ()
    %dma_wait3A_42 = arith.constant 96 : i32
    %dma_wait3A_43 = tpu.memref_slice %arg5[%dma_wait3A_42] : memref<128xi32, #tpu.memory_space<vmem>> -> memref<32xi32, #tpu.memory_space<vmem>>
    %dma_wait3A_44 = arith.constant 0 : i32
    %dma_wait3A_45 = arith.constant 0 : i32
    %dma_wait3A_46 = tpu.memref_slice %arg2[%dma_wait3A_44, %dma_wait3A_45] : memref<4096x1024xf32, #tpu.memory_space<hbm>> -> memref<4096x1024xf32, #tpu.memory_space<hbm>>
    tpu.wait_indirect_dma semaphore(%arg9 : memref<!tpu.dma_semaphore, #tpu.memory_space<semaphore_mem>>) src(%dma_wait3A_46 : memref<4096x1024xf32, #tpu.memory_space<hbm>>) dst(%arg7 : memref<32x1024xf32, #tpu.memory_space<vmem>>)
    %add3A_47 = arith.constant 96 : i32
    %add3A_48 = arith.addi %mul3A_2, %add3A_47 : i32
    "tpu.region"() ({
      %run_scoped3A = tpu.sem_alloc : memref<!tpu.dma_semaphore, #tpu.memory_space<semaphore_mem>>
      %dma_start3A_49 = arith.constant 0 : i32
      %dma_start3A_50 = tpu.memref_slice %arg4[%add3A_48, %dma_start3A_49] : memref<4096x1024xf32, #tpu.memory_space<hbm>> -> memref<32x1024xf32, #tpu.memory_space<hbm>>
      %dma_start3A_51 = arith.constant 0 : i32
      %dma_start3A_52 = tpu.memref_slice %arg4[%add3A_48, %dma_start3A_51] : memref<4096x1024xf32, #tpu.memory_space<hbm>> -> memref<32x1024xf32, #tpu.memory_space<hbm>>
      tpu.enqueue_dma source(%arg7 : memref<32x1024xf32, #tpu.memory_space<vmem>>) target(%dma_start3A_52 : memref<32x1024xf32, #tpu.memory_space<hbm>>) target_semaphore(%run_scoped3A : memref<!tpu.dma_semaphore, #tpu.memory_space<semaphore_mem>>)
      %dma_wait3A_53 = arith.constant 0 : i32
      %dma_wait3A_54 = tpu.memref_slice %arg4[%add3A_48, %dma_wait3A_53] : memref<4096x1024xf32, #tpu.memory_space<hbm>> -> memref<32x1024xf32, #tpu.memory_space<hbm>>
      %dma_wait3A_55 = arith.constant 0 : i32
      %dma_wait3A_56 = tpu.memref_slice %arg4[%add3A_48, %dma_wait3A_55] : memref<4096x1024xf32, #tpu.memory_space<hbm>> -> memref<32x1024xf32, #tpu.memory_space<hbm>>
      tpu.wait_dma2 semaphore(%run_scoped3A : memref<!tpu.dma_semaphore, #tpu.memory_space<semaphore_mem>>) src(%arg7 : memref<32x1024xf32, #tpu.memory_space<vmem>>) dst(%dma_wait3A_56 : memref<32x1024xf32, #tpu.memory_space<hbm>>)
      tpu.yield
    }) : () -> ()
    return
  }
}

#map = affine_map<(d0, d1) -> (0, 0)>
#map1 = affine_map<(d0, d1) -> (0)>
module attributes {stable_mosaic.version = 14 : i64} {
  func.func @k(%arg0: i32, %arg1: i32, %arg2: memref<2048x1024xf32, #tpu.memory_space<hbm>>, %arg3: memref<4096xi32, #tpu.memory_space<hbm>>, %arg4: memref<4096x1024xf32, #tpu.memory_space<hbm>>, %arg5: memref<128xi32, #tpu.memory_space<vmem>>, %arg6: memref<32x1024xf32, #tpu.memory_space<vmem>>, %arg7: memref<32x1024xf32, #tpu.memory_space<vmem>>, %arg8: memref<!tpu.dma_semaphore, #tpu.memory_space<semaphore_mem>>, %arg9: memref<!tpu.dma_semaphore, #tpu.memory_space<semaphore_mem>>) attributes {dimension_semantics = [#tpu.dimension_semantics<core_parallel>, #tpu.dimension_semantics<subcore_parallel>], iteration_bounds = array<i64: 2, 16>, scalar_prefetch = 0 : i64, scratch_operands = 5 : i64, tpu.core_type = #tpu.core_type<sc_vector_subcore>, window_params = [{transform_indices = #map}, {transform_indices = #map1}, {transform_indices = #map}]} {
    %mul3A = arith.constant 2 : i32
    %mul3A_0 = arith.muli %arg1, %mul3A : i32
    %add3A = arith.addi %mul3A_0, %arg0 : i32
    %mul3A_1 = arith.constant 128 : i32
    %mul3A_2 = arith.muli %add3A, %mul3A_1 : i32
    "tpu.region"() ({
      %run_scoped3A = tpu.sem_alloc : memref<!tpu.dma_semaphore, #tpu.memory_space<semaphore_mem>>
      %dma_start3A_49 = tpu.memref_slice %arg3[%mul3A_2] : memref<4096xi32, #tpu.memory_space<hbm>> -> memref<128xi32, #tpu.memory_space<hbm>>
      %dma_start3A_50 = tpu.memref_slice %arg3[%mul3A_2] : memref<4096xi32, #tpu.memory_space<hbm>> -> memref<128xi32, #tpu.memory_space<hbm>>
      tpu.enqueue_dma source(%dma_start3A_50 : memref<128xi32, #tpu.memory_space<hbm>>) target(%arg5 : memref<128xi32, #tpu.memory_space<vmem>>) target_semaphore(%run_scoped3A : memref<!tpu.dma_semaphore, #tpu.memory_space<semaphore_mem>>)
      %dma_wait3A_51 = tpu.memref_slice %arg3[%mul3A_2] : memref<4096xi32, #tpu.memory_space<hbm>> -> memref<128xi32, #tpu.memory_space<hbm>>
      %dma_wait3A_52 = tpu.memref_slice %arg3[%mul3A_2] : memref<4096xi32, #tpu.memory_space<hbm>> -> memref<128xi32, #tpu.memory_space<hbm>>
      tpu.wait_dma2 semaphore(%run_scoped3A : memref<!tpu.dma_semaphore, #tpu.memory_space<semaphore_mem>>) src(%dma_wait3A_52 : memref<128xi32, #tpu.memory_space<hbm>>) dst(%arg5 : memref<128xi32, #tpu.memory_space<vmem>>)
      tpu.yield
    }) : () -> ()
    %dma_start3A = arith.constant 0 : i32
    %dma_start3A_3 = tpu.memref_slice %arg5[%dma_start3A] : memref<128xi32, #tpu.memory_space<vmem>> -> memref<32xi32, #tpu.memory_space<vmem>>
    %dma_start3A_4 = arith.constant 0 : i32
    %dma_start3A_5 = arith.constant 0 : i32
    %dma_start3A_6 = tpu.memref_slice %arg2[%dma_start3A_4, %dma_start3A_5] : memref<2048x1024xf32, #tpu.memory_space<hbm>> -> memref<2048x1024xf32, #tpu.memory_space<hbm>>
    tpu.enqueue_indirect_dma source(%dma_start3A_6 : memref<2048x1024xf32, #tpu.memory_space<hbm>>) target(%arg6 : memref<32x1024xf32, #tpu.memory_space<vmem>>) offsets(%dma_start3A_3 : memref<32xi32, #tpu.memory_space<vmem>>) semaphore(%arg8 : memref<!tpu.dma_semaphore, #tpu.memory_space<semaphore_mem>>)
    %dma_start3A_7 = arith.constant 32 : i32
    %dma_start3A_8 = tpu.memref_slice %arg5[%dma_start3A_7] : memref<128xi32, #tpu.memory_space<vmem>> -> memref<32xi32, #tpu.memory_space<vmem>>
    %dma_start3A_9 = arith.constant 0 : i32
    %dma_start3A_10 = arith.constant 0 : i32
    %dma_start3A_11 = tpu.memref_slice %arg2[%dma_start3A_9, %dma_start3A_10] : memref<2048x1024xf32, #tpu.memory_space<hbm>> -> memref<2048x1024xf32, #tpu.memory_space<hbm>>
    tpu.enqueue_indirect_dma source(%dma_start3A_11 : memref<2048x1024xf32, #tpu.memory_space<hbm>>) target(%arg7 : memref<32x1024xf32, #tpu.memory_space<vmem>>) offsets(%dma_start3A_8 : memref<32xi32, #tpu.memory_space<vmem>>) semaphore(%arg9 : memref<!tpu.dma_semaphore, #tpu.memory_space<semaphore_mem>>)
    %dma_wait3A = arith.constant 0 : i32
    %dma_wait3A_12 = tpu.memref_slice %arg5[%dma_wait3A] : memref<128xi32, #tpu.memory_space<vmem>> -> memref<32xi32, #tpu.memory_space<vmem>>
    %dma_wait3A_13 = arith.constant 0 : i32
    %dma_wait3A_14 = arith.constant 0 : i32
    %dma_wait3A_15 = tpu.memref_slice %arg2[%dma_wait3A_13, %dma_wait3A_14] : memref<2048x1024xf32, #tpu.memory_space<hbm>> -> memref<2048x1024xf32, #tpu.memory_space<hbm>>
    tpu.wait_indirect_dma semaphore(%arg8 : memref<!tpu.dma_semaphore, #tpu.memory_space<semaphore_mem>>) src(%dma_wait3A_15 : memref<2048x1024xf32, #tpu.memory_space<hbm>>) dst(%arg6 : memref<32x1024xf32, #tpu.memory_space<vmem>>)
    %add3A_16 = arith.constant 0 : i32
    %add3A_17 = arith.addi %mul3A_2, %add3A_16 : i32
    "tpu.region"() ({
      %run_scoped3A = tpu.sem_alloc : memref<!tpu.dma_semaphore, #tpu.memory_space<semaphore_mem>>
      %dma_start3A_49 = arith.constant 0 : i32
      %dma_start3A_50 = tpu.memref_slice %arg4[%add3A_17, %dma_start3A_49] : memref<4096x1024xf32, #tpu.memory_space<hbm>> -> memref<32x1024xf32, #tpu.memory_space<hbm>>
      %dma_start3A_51 = arith.constant 0 : i32
      %dma_start3A_52 = tpu.memref_slice %arg4[%add3A_17, %dma_start3A_51] : memref<4096x1024xf32, #tpu.memory_space<hbm>> -> memref<32x1024xf32, #tpu.memory_space<hbm>>
      tpu.enqueue_dma source(%arg6 : memref<32x1024xf32, #tpu.memory_space<vmem>>) target(%dma_start3A_52 : memref<32x1024xf32, #tpu.memory_space<hbm>>) target_semaphore(%run_scoped3A : memref<!tpu.dma_semaphore, #tpu.memory_space<semaphore_mem>>)
      %dma_wait3A_53 = arith.constant 0 : i32
      %dma_wait3A_54 = tpu.memref_slice %arg4[%add3A_17, %dma_wait3A_53] : memref<4096x1024xf32, #tpu.memory_space<hbm>> -> memref<32x1024xf32, #tpu.memory_space<hbm>>
      %dma_wait3A_55 = arith.constant 0 : i32
      %dma_wait3A_56 = tpu.memref_slice %arg4[%add3A_17, %dma_wait3A_55] : memref<4096x1024xf32, #tpu.memory_space<hbm>> -> memref<32x1024xf32, #tpu.memory_space<hbm>>
      tpu.wait_dma2 semaphore(%run_scoped3A : memref<!tpu.dma_semaphore, #tpu.memory_space<semaphore_mem>>) src(%arg6 : memref<32x1024xf32, #tpu.memory_space<vmem>>) dst(%dma_wait3A_56 : memref<32x1024xf32, #tpu.memory_space<hbm>>)
      tpu.yield
    }) : () -> ()
    %dma_start3A_18 = arith.constant 64 : i32
    %dma_start3A_19 = tpu.memref_slice %arg5[%dma_start3A_18] : memref<128xi32, #tpu.memory_space<vmem>> -> memref<32xi32, #tpu.memory_space<vmem>>
    %dma_start3A_20 = arith.constant 0 : i32
    %dma_start3A_21 = arith.constant 0 : i32
    %dma_start3A_22 = tpu.memref_slice %arg2[%dma_start3A_20, %dma_start3A_21] : memref<2048x1024xf32, #tpu.memory_space<hbm>> -> memref<2048x1024xf32, #tpu.memory_space<hbm>>
    tpu.enqueue_indirect_dma source(%dma_start3A_22 : memref<2048x1024xf32, #tpu.memory_space<hbm>>) target(%arg6 : memref<32x1024xf32, #tpu.memory_space<vmem>>) offsets(%dma_start3A_19 : memref<32xi32, #tpu.memory_space<vmem>>) semaphore(%arg8 : memref<!tpu.dma_semaphore, #tpu.memory_space<semaphore_mem>>)
    %dma_wait3A_23 = arith.constant 32 : i32
    %dma_wait3A_24 = tpu.memref_slice %arg5[%dma_wait3A_23] : memref<128xi32, #tpu.memory_space<vmem>> -> memref<32xi32, #tpu.memory_space<vmem>>
    %dma_wait3A_25 = arith.constant 0 : i32
    %dma_wait3A_26 = arith.constant 0 : i32
    %dma_wait3A_27 = tpu.memref_slice %arg2[%dma_wait3A_25, %dma_wait3A_26] : memref<2048x1024xf32, #tpu.memory_space<hbm>> -> memref<2048x1024xf32, #tpu.memory_space<hbm>>
    tpu.wait_indirect_dma semaphore(%arg9 : memref<!tpu.dma_semaphore, #tpu.memory_space<semaphore_mem>>) src(%dma_wait3A_27 : memref<2048x1024xf32, #tpu.memory_space<hbm>>) dst(%arg7 : memref<32x1024xf32, #tpu.memory_space<vmem>>)
    %add3A_28 = arith.constant 32 : i32
    %add3A_29 = arith.addi %mul3A_2, %add3A_28 : i32
    "tpu.region"() ({
      %run_scoped3A = tpu.sem_alloc : memref<!tpu.dma_semaphore, #tpu.memory_space<semaphore_mem>>
      %dma_start3A_49 = arith.constant 0 : i32
      %dma_start3A_50 = tpu.memref_slice %arg4[%add3A_29, %dma_start3A_49] : memref<4096x1024xf32, #tpu.memory_space<hbm>> -> memref<32x1024xf32, #tpu.memory_space<hbm>>
      %dma_start3A_51 = arith.constant 0 : i32
      %dma_start3A_52 = tpu.memref_slice %arg4[%add3A_29, %dma_start3A_51] : memref<4096x1024xf32, #tpu.memory_space<hbm>> -> memref<32x1024xf32, #tpu.memory_space<hbm>>
      tpu.enqueue_dma source(%arg7 : memref<32x1024xf32, #tpu.memory_space<vmem>>) target(%dma_start3A_52 : memref<32x1024xf32, #tpu.memory_space<hbm>>) target_semaphore(%run_scoped3A : memref<!tpu.dma_semaphore, #tpu.memory_space<semaphore_mem>>)
      %dma_wait3A_53 = arith.constant 0 : i32
      %dma_wait3A_54 = tpu.memref_slice %arg4[%add3A_29, %dma_wait3A_53] : memref<4096x1024xf32, #tpu.memory_space<hbm>> -> memref<32x1024xf32, #tpu.memory_space<hbm>>
      %dma_wait3A_55 = arith.constant 0 : i32
      %dma_wait3A_56 = tpu.memref_slice %arg4[%add3A_29, %dma_wait3A_55] : memref<4096x1024xf32, #tpu.memory_space<hbm>> -> memref<32x1024xf32, #tpu.memory_space<hbm>>
      tpu.wait_dma2 semaphore(%run_scoped3A : memref<!tpu.dma_semaphore, #tpu.memory_space<semaphore_mem>>) src(%arg7 : memref<32x1024xf32, #tpu.memory_space<vmem>>) dst(%dma_wait3A_56 : memref<32x1024xf32, #tpu.memory_space<hbm>>)
      tpu.yield
    }) : () -> ()
    %dma_start3A_30 = arith.constant 96 : i32
    %dma_start3A_31 = tpu.memref_slice %arg5[%dma_start3A_30] : memref<128xi32, #tpu.memory_space<vmem>> -> memref<32xi32, #tpu.memory_space<vmem>>
    %dma_start3A_32 = arith.constant 0 : i32
    %dma_start3A_33 = arith.constant 0 : i32
    %dma_start3A_34 = tpu.memref_slice %arg2[%dma_start3A_32, %dma_start3A_33] : memref<2048x1024xf32, #tpu.memory_space<hbm>> -> memref<2048x1024xf32, #tpu.memory_space<hbm>>
    tpu.enqueue_indirect_dma source(%dma_start3A_34 : memref<2048x1024xf32, #tpu.memory_space<hbm>>) target(%arg7 : memref<32x1024xf32, #tpu.memory_space<vmem>>) offsets(%dma_start3A_31 : memref<32xi32, #tpu.memory_space<vmem>>) semaphore(%arg9 : memref<!tpu.dma_semaphore, #tpu.memory_space<semaphore_mem>>)
    %dma_wait3A_35 = arith.constant 64 : i32
    %dma_wait3A_36 = tpu.memref_slice %arg5[%dma_wait3A_35] : memref<128xi32, #tpu.memory_space<vmem>> -> memref<32xi32, #tpu.memory_space<vmem>>
    %dma_wait3A_37 = arith.constant 0 : i32
    %dma_wait3A_38 = arith.constant 0 : i32
    %dma_wait3A_39 = tpu.memref_slice %arg2[%dma_wait3A_37, %dma_wait3A_38] : memref<2048x1024xf32, #tpu.memory_space<hbm>> -> memref<2048x1024xf32, #tpu.memory_space<hbm>>
    tpu.wait_indirect_dma semaphore(%arg8 : memref<!tpu.dma_semaphore, #tpu.memory_space<semaphore_mem>>) src(%dma_wait3A_39 : memref<2048x1024xf32, #tpu.memory_space<hbm>>) dst(%arg6 : memref<32x1024xf32, #tpu.memory_space<vmem>>)
    %add3A_40 = arith.constant 64 : i32
    %add3A_41 = arith.addi %mul3A_2, %add3A_40 : i32
    "tpu.region"() ({
      %run_scoped3A = tpu.sem_alloc : memref<!tpu.dma_semaphore, #tpu.memory_space<semaphore_mem>>
      %dma_start3A_49 = arith.constant 0 : i32
      %dma_start3A_50 = tpu.memref_slice %arg4[%add3A_41, %dma_start3A_49] : memref<4096x1024xf32, #tpu.memory_space<hbm>> -> memref<32x1024xf32, #tpu.memory_space<hbm>>
      %dma_start3A_51 = arith.constant 0 : i32
      %dma_start3A_52 = tpu.memref_slice %arg4[%add3A_41, %dma_start3A_51] : memref<4096x1024xf32, #tpu.memory_space<hbm>> -> memref<32x1024xf32, #tpu.memory_space<hbm>>
      tpu.enqueue_dma source(%arg6 : memref<32x1024xf32, #tpu.memory_space<vmem>>) target(%dma_start3A_52 : memref<32x1024xf32, #tpu.memory_space<hbm>>) target_semaphore(%run_scoped3A : memref<!tpu.dma_semaphore, #tpu.memory_space<semaphore_mem>>)
      %dma_wait3A_53 = arith.constant 0 : i32
      %dma_wait3A_54 = tpu.memref_slice %arg4[%add3A_41, %dma_wait3A_53] : memref<4096x1024xf32, #tpu.memory_space<hbm>> -> memref<32x1024xf32, #tpu.memory_space<hbm>>
      %dma_wait3A_55 = arith.constant 0 : i32
      %dma_wait3A_56 = tpu.memref_slice %arg4[%add3A_41, %dma_wait3A_55] : memref<4096x1024xf32, #tpu.memory_space<hbm>> -> memref<32x1024xf32, #tpu.memory_space<hbm>>
      tpu.wait_dma2 semaphore(%run_scoped3A : memref<!tpu.dma_semaphore, #tpu.memory_space<semaphore_mem>>) src(%arg6 : memref<32x1024xf32, #tpu.memory_space<vmem>>) dst(%dma_wait3A_56 : memref<32x1024xf32, #tpu.memory_space<hbm>>)
      tpu.yield
    }) : () -> ()
    %dma_wait3A_42 = arith.constant 96 : i32
    %dma_wait3A_43 = tpu.memref_slice %arg5[%dma_wait3A_42] : memref<128xi32, #tpu.memory_space<vmem>> -> memref<32xi32, #tpu.memory_space<vmem>>
    %dma_wait3A_44 = arith.constant 0 : i32
    %dma_wait3A_45 = arith.constant 0 : i32
    %dma_wait3A_46 = tpu.memref_slice %arg2[%dma_wait3A_44, %dma_wait3A_45] : memref<2048x1024xf32, #tpu.memory_space<hbm>> -> memref<2048x1024xf32, #tpu.memory_space<hbm>>
    tpu.wait_indirect_dma semaphore(%arg9 : memref<!tpu.dma_semaphore, #tpu.memory_space<semaphore_mem>>) src(%dma_wait3A_46 : memref<2048x1024xf32, #tpu.memory_space<hbm>>) dst(%arg7 : memref<32x1024xf32, #tpu.memory_space<vmem>>)
    %add3A_47 = arith.constant 96 : i32
    %add3A_48 = arith.addi %mul3A_2, %add3A_47 : i32
    "tpu.region"() ({
      %run_scoped3A = tpu.sem_alloc : memref<!tpu.dma_semaphore, #tpu.memory_space<semaphore_mem>>
      %dma_start3A_49 = arith.constant 0 : i32
      %dma_start3A_50 = tpu.memref_slice %arg4[%add3A_48, %dma_start3A_49] : memref<4096x1024xf32, #tpu.memory_space<hbm>> -> memref<32x1024xf32, #tpu.memory_space<hbm>>
      %dma_start3A_51 = arith.constant 0 : i32
      %dma_start3A_52 = tpu.memref_slice %arg4[%add3A_48, %dma_start3A_51] : memref<4096x1024xf32, #tpu.memory_space<hbm>> -> memref<32x1024xf32, #tpu.memory_space<hbm>>
      tpu.enqueue_dma source(%arg7 : memref<32x1024xf32, #tpu.memory_space<vmem>>) target(%dma_start3A_52 : memref<32x1024xf32, #tpu.memory_space<hbm>>) target_semaphore(%run_scoped3A : memref<!tpu.dma_semaphore, #tpu.memory_space<semaphore_mem>>)
      %dma_wait3A_53 = arith.constant 0 : i32
      %dma_wait3A_54 = tpu.memref_slice %arg4[%add3A_48, %dma_wait3A_53] : memref<4096x1024xf32, #tpu.memory_space<hbm>> -> memref<32x1024xf32, #tpu.memory_space<hbm>>
      %dma_wait3A_55 = arith.constant 0 : i32
      %dma_wait3A_56 = tpu.memref_slice %arg4[%add3A_48, %dma_wait3A_55] : memref<4096x1024xf32, #tpu.memory_space<hbm>> -> memref<32x1024xf32, #tpu.memory_space<hbm>>
      tpu.wait_dma2 semaphore(%run_scoped3A : memref<!tpu.dma_semaphore, #tpu.memory_space<semaphore_mem>>) src(%arg7 : memref<32x1024xf32, #tpu.memory_space<vmem>>) dst(%dma_wait3A_56 : memref<32x1024xf32, #tpu.memory_space<hbm>>)
      tpu.yield
    }) : () -> ()
    return
  }
}

module attributes {stable_mosaic.version = 14 : i64} {
  func.func @_router_body(%arg0: memref<2048x1024xf32, #tpu.memory_space<vmem>>, %arg1: memref<8x1024xf32, #tpu.memory_space<vmem>>, %arg2: memref<2048x128xi32, #tpu.memory_space<vmem>>, %arg3: memref<2048x128xf32, #tpu.memory_space<vmem>>) attributes {dimension_semantics = [], scalar_prefetch = 0 : i64, scratch_operands = 0 : i64, tpu.core_type = #tpu.core_type<tc>} {
    %get3A = arith.constant 0 : index
    %get3A_0 = arith.constant 0 : index
    %get3A_1 = vector.load %arg0[%get3A, %get3A_0] : memref<2048x1024xf32, #tpu.memory_space<vmem>>, vector<2048x1024xf32>
    %get3A_2 = arith.constant 0 : index
    %get3A_3 = arith.constant 0 : index
    %get3A_4 = vector.load %arg1[%get3A_2, %get3A_3] : memref<8x1024xf32, #tpu.memory_space<vmem>>, vector<8x1024xf32>
    %dot_general3A = arith.constant dense<0.000000e+00> : vector<2048x8xf32>
    %dot_general3A_5 = tpu.matmul %get3A_1, %get3A_4, %dot_general3A {dimension_numbers = #tpu.dot_dimension_numbers<[1], [1], [0], [0], [0, 0, 1, 0], [], []>, transpose_lhs_hint = false} : vector<2048x1024xf32>, vector<8x1024xf32>, vector<2048x8xf32> -> vector<2048x8xf32>
    %iota3A = tpu.iota {dimensions = array<i32: 1>} : vector<2048x8xi32>
    %reduce_max3A = arith.constant dense<0xFF800000> : vector<2048xf32>
    %reduce_max3A_6 = vector.multi_reduction <maximumf>, %dot_general3A_5, %reduce_max3A [1] : vector<2048x8xf32> to vector<2048xf32>
    %broadcast_in_dim3A = vector.shape_cast %reduce_max3A_6 : vector<2048xf32> to vector<2048x1xf32>
    %eq3A = vector.broadcast %broadcast_in_dim3A : vector<2048x1xf32> to vector<2048x8xf32>
    %eq3A_7 = arith.cmpf oeq, %dot_general3A_5, %eq3A : vector<2048x8xf32>
    %jit3A = arith.constant 8 : i32
    %broadcast_in_dim3A_8 = vector.broadcast %jit3A : i32 to vector<2048x8xi32>
    %select_n3A = arith.select %eq3A_7, %iota3A, %broadcast_in_dim3A_8 : vector<2048x8xi1>, vector<2048x8xi32>
    %reduce_min3A = arith.constant dense<2147483647> : vector<2048xi32>
    %reduce_min3A_9 = vector.multi_reduction <minsi>, %select_n3A, %reduce_min3A [1] : vector<2048x8xi32> to vector<2048xi32>
    %broadcast_in_dim3A_10 = vector.shape_cast %reduce_min3A_9 : vector<2048xi32> to vector<2048x1xi32>
    %eq3A_11 = vector.broadcast %broadcast_in_dim3A_10 : vector<2048x1xi32> to vector<2048x8xi32>
    %eq3A_12 = arith.cmpi eq, %iota3A, %eq3A_11 : vector<2048x8xi32>
    %jit3A_13 = arith.constant 0xFF800000 : f32
    %broadcast_in_dim3A_14 = vector.broadcast %jit3A_13 : f32 to vector<2048x8xf32>
    %select_n3A_15 = arith.select %eq3A_12, %broadcast_in_dim3A_14, %dot_general3A_5 : vector<2048x8xi1>, vector<2048x8xf32>
    %reduce_max3A_16 = arith.constant dense<0xFF800000> : vector<2048xf32>
    %reduce_max3A_17 = vector.multi_reduction <maximumf>, %select_n3A_15, %reduce_max3A_16 [1] : vector<2048x8xf32> to vector<2048xf32>
    %broadcast_in_dim3A_18 = vector.shape_cast %reduce_max3A_17 : vector<2048xf32> to vector<2048x1xf32>
    %eq3A_19 = vector.broadcast %broadcast_in_dim3A_18 : vector<2048x1xf32> to vector<2048x8xf32>
    %eq3A_20 = arith.cmpf oeq, %select_n3A_15, %eq3A_19 : vector<2048x8xf32>
    %jit3A_21 = arith.constant 8 : i32
    %broadcast_in_dim3A_22 = vector.broadcast %jit3A_21 : i32 to vector<2048x8xi32>
    %select_n3A_23 = arith.select %eq3A_20, %iota3A, %broadcast_in_dim3A_22 : vector<2048x8xi1>, vector<2048x8xi32>
    %reduce_min3A_24 = arith.constant dense<2147483647> : vector<2048xi32>
    %reduce_min3A_25 = vector.multi_reduction <minsi>, %select_n3A_23, %reduce_min3A_24 [1] : vector<2048x8xi32> to vector<2048xi32>
    %broadcast_in_dim3A_26 = vector.shape_cast %reduce_min3A_25 : vector<2048xi32> to vector<2048x1xi32>
    %sub3A = arith.subf %broadcast_in_dim3A_18, %broadcast_in_dim3A : vector<2048x1xf32>
    %exp3A = math.exp %sub3A : vector<2048x1xf32>
    %add3A = arith.constant 1.000000e+00 : f32
    %add3A_27 = vector.broadcast %add3A : f32 to vector<2048x1xf32>
    %add3A_28 = arith.addf %add3A_27, %exp3A : vector<2048x1xf32>
    %div3A = arith.constant 1.000000e+00 : f32
    %div3A_29 = vector.broadcast %div3A : f32 to vector<2048x1xf32>
    %div3A_30 = arith.divf %div3A_29, %add3A_28 : vector<2048x1xf32>
    %sub3A_31 = arith.constant 1.000000e+00 : f32
    %sub3A_32 = vector.broadcast %sub3A_31 : f32 to vector<2048x1xf32>
    %sub3A_33 = arith.subf %sub3A_32, %div3A_30 : vector<2048x1xf32>
    %broadcast_in_dim3A_34 = arith.constant 0 : i32
    %broadcast_in_dim3A_35 = vector.broadcast %broadcast_in_dim3A_34 : i32 to vector<2048x126xi32>
    %broadcast_in_dim3A_36 = arith.constant 0.000000e+00 : f32
    %broadcast_in_dim3A_37 = vector.broadcast %broadcast_in_dim3A_36 : f32 to vector<2048x126xf32>
    %concatenate3A = tpu.concatenate %broadcast_in_dim3A_10, %broadcast_in_dim3A_26, %broadcast_in_dim3A_35 in 1 : vector<2048x1xi32>, vector<2048x1xi32>, vector<2048x126xi32> -> vector<2048x128xi32>
    %swap3A = arith.constant 0 : index
    %swap3A_38 = arith.constant 0 : index
    %swap3A_39 = vector.load %arg2[%swap3A, %swap3A_38] : memref<2048x128xi32, #tpu.memory_space<vmem>>, vector<2048x128xi32>
    tpu.vector_store %arg2[%swap3A, %swap3A_38], %concatenate3A {strides = array<i32>} : memref<2048x128xi32, #tpu.memory_space<vmem>>, vector<2048x128xi32>,
    %concatenate3A_40 = tpu.concatenate %div3A_30, %sub3A_33, %broadcast_in_dim3A_37 in 1 : vector<2048x1xf32>, vector<2048x1xf32>, vector<2048x126xf32> -> vector<2048x128xf32>
    %swap3A_41 = arith.constant 0 : index
    %swap3A_42 = arith.constant 0 : index
    %swap3A_43 = vector.load %arg3[%swap3A_41, %swap3A_42] : memref<2048x128xf32, #tpu.memory_space<vmem>>, vector<2048x128xf32>
    tpu.vector_store %arg3[%swap3A_41, %swap3A_42], %concatenate3A_40 {strides = array<i32>} : memref<2048x128xf32, #tpu.memory_space<vmem>>, vector<2048x128xf32>,
    return
  }
}

module attributes {stable_mosaic.version = 14 : i64} {
  func.func @_combine_body(%arg0: i32, %arg1: memref<512x1024xf32, #tpu.memory_space<vmem>>, %arg2: memref<512x1024xf32, #tpu.memory_space<vmem>>, %arg3: memref<512x128xf32, #tpu.memory_space<vmem>>, %arg4: memref<512x1024xf32, #tpu.memory_space<vmem>>) attributes {dimension_semantics = [#tpu.dimension_semantics<arbitrary>], iteration_bounds = array<i64: 4>, scalar_prefetch = 0 : i64, scratch_operands = 0 : i64, tpu.core_type = #tpu.core_type<tc>, window_params = [{transform_indices = @transform_0, window_bounds = array<i64: 512, 1024>}, {transform_indices = @transform_1, window_bounds = array<i64: 512, 1024>}, {transform_indices = @transform_2, window_bounds = array<i64: 512, 128>}, {transform_indices = @transform_3, window_bounds = array<i64: 512, 1024>}]} {
    %get3A = arith.constant 0 : index
    %get3A_0 = arith.constant 0 : index
    %get3A_1 = vector.load %arg3[%get3A, %get3A_0] : memref<512x128xf32, #tpu.memory_space<vmem>>, vector<512x1xf32>
    %get3A_2 = arith.constant 0 : index
    %get3A_3 = arith.constant 1 : index
    %get3A_4 = vector.load %arg3[%get3A_2, %get3A_3] : memref<512x128xf32, #tpu.memory_space<vmem>>, vector<512x1xf32>
    %get3A_5 = arith.constant 0 : index
    %get3A_6 = arith.constant 0 : index
    %get3A_7 = vector.load %arg1[%get3A_5, %get3A_6] : memref<512x1024xf32, #tpu.memory_space<vmem>>, vector<512x1024xf32>
    %mul3A = vector.broadcast %get3A_1 : vector<512x1xf32> to vector<512x1024xf32>
    %mul3A_8 = arith.mulf %mul3A, %get3A_7 : vector<512x1024xf32>
    %get3A_9 = arith.constant 0 : index
    %get3A_10 = arith.constant 0 : index
    %get3A_11 = vector.load %arg2[%get3A_9, %get3A_10] : memref<512x1024xf32, #tpu.memory_space<vmem>>, vector<512x1024xf32>
    %mul3A_12 = vector.broadcast %get3A_4 : vector<512x1xf32> to vector<512x1024xf32>
    %mul3A_13 = arith.mulf %mul3A_12, %get3A_11 : vector<512x1024xf32>
    %add3A = arith.addf %mul3A_8, %mul3A_13 : vector<512x1024xf32>
    %swap3A = arith.constant 0 : index
    %swap3A_14 = arith.constant 0 : index
    %swap3A_15 = vector.load %arg4[%swap3A, %swap3A_14] : memref<512x1024xf32, #tpu.memory_space<vmem>>, vector<512x1024xf32>
    tpu.vector_store %arg4[%swap3A, %swap3A_14], %add3A {strides = array<i32>} : memref<512x1024xf32, #tpu.memory_space<vmem>>, vector<512x1024xf32>,
    return
  }
  func.func @transform_0(%arg0: i32) -> (i32, i32) {
    %c0_i32 = arith.constant 0 : i32
    %c0_i32_0 = arith.constant 0 : i32
    return %arg0, %c0_i32 : i32, i32
  }
  func.func @transform_1(%arg0: i32) -> (i32, i32) {
    %add3A = arith.constant 4 : i32
    %add3A_0 = arith.addi %arg0, %add3A : i32
    %c0_i32 = arith.constant 0 : i32
    %c0_i32_1 = arith.constant 0 : i32
    return %add3A_0, %c0_i32 : i32, i32
  }
  func.func @transform_2(%arg0: i32) -> (i32, i32) {
    %c0_i32 = arith.constant 0 : i32
    %c0_i32_0 = arith.constant 0 : i32
    return %arg0, %c0_i32 : i32, i32
  }
  func.func @transform_3(%arg0: i32) -> (i32, i32) {
    %c0_i32 = arith.constant 0 : i32
    %c0_i32_0 = arith.constant 0 : i32
    return %arg0, %c0_i32 : i32, i32
  }
}

module attributes {stable_mosaic.version = 14 : i64} {
  func.func @_ffn_body(%arg0: i32, %arg1: i32, %arg2: memref<16xi32, #tpu.memory_space<smem>>, %arg3: memref<16xi32, #tpu.memory_space<smem>>, %arg4: memref<16xi32, #tpu.memory_space<smem>>, %arg5: memref<16xi32, #tpu.memory_space<smem>>, %arg6: memref<4096x1024xf32, #tpu.memory_space<vmem>>, %arg7: memref<1x896x1024xf32, #tpu.memory_space<vmem>>, %arg8: memref<1x896x1024xf32, #tpu.memory_space<vmem>>, %arg9: memref<1x1024x896xf32, #tpu.memory_space<vmem>>, %arg10: memref<4096x1024xf32, #tpu.memory_space<vmem>>) attributes {dimension_semantics = [#tpu.dimension_semantics<arbitrary>, #tpu.dimension_semantics<arbitrary>], iteration_bounds = array<i64: 4, 16>, scalar_prefetch = 4 : i64, scratch_operands = 0 : i64, tpu.core_type = #tpu.core_type<tc>, window_params = [{pipeline_mode = #tpu.pipeline_mode<synchronous>, transform_indices = @transform_0, window_bounds = array<i64: 4096, 1024>}, {transform_indices = @transform_1, window_bounds = array<i64: 1, 896, 1024>}, {transform_indices = @transform_2, window_bounds = array<i64: 1, 896, 1024>}, {transform_indices = @transform_3, window_bounds = array<i64: 1, 1024, 896>}, {pipeline_mode = #tpu.pipeline_mode<synchronous>, transform_indices = @transform_4, window_bounds = array<i64: 4096, 1024>}]} {
    %get3A = arith.index_cast %arg1 : i32 to index
    %get3A_0 = memref.load %arg5[%get3A] : memref<16xi32, #tpu.memory_space<smem>>
    %get3A_1 = arith.index_cast %arg1 : i32 to index
    %get3A_2 = memref.load %arg4[%get3A_1] : memref<16xi32, #tpu.memory_space<smem>>
    %gt3A = arith.cmpi sgt, %get3A_0, %get3A_2 : i32
    %convert_element_type3A = arith.extui %gt3A : i1 to i32
    %cond3A = arith.constant 0 : i32
    %cond3A_3 = arith.cmpi ne, %convert_element_type3A, %cond3A : i32
    scf.if %cond3A_3 {
      %get3A_4 = arith.index_cast %arg1 : i32 to index
      %get3A_5 = memref.load %arg2[%get3A_4] : memref<16xi32, #tpu.memory_space<smem>>
      %mul3A = arith.constant 8 : i32
      %mul3A_6 = arith.muli %get3A_5, %mul3A : i32
      %get3A_7 = arith.index_cast %mul3A_6 : i32 to index
      %get3A_8 = arith.constant 0 : index
      %get3A_9 = vector.load %arg6[%get3A_7, %get3A_8] : memref<4096x1024xf32, #tpu.memory_space<vmem>>, vector<512x1024xf32>
      %get3A_10 = arith.constant 0 : index
      %get3A_11 = arith.constant 0 : index
      %get3A_12 = arith.constant 0 : index
      %get3A_13 = vector.load %arg7[%get3A_10, %get3A_11, %get3A_12] : memref<1x896x1024xf32, #tpu.memory_space<vmem>>, vector<1x896x1024xf32>
      %get3A_14 = vector.shape_cast %get3A_13 : vector<1x896x1024xf32> to vector<896x1024xf32>
      %get3A_15 = arith.constant 0 : index
      %get3A_16 = arith.constant 0 : index
      %get3A_17 = arith.constant 0 : index
      %get3A_18 = vector.load %arg8[%get3A_15, %get3A_16, %get3A_17] : memref<1x896x1024xf32, #tpu.memory_space<vmem>>, vector<1x896x1024xf32>
      %get3A_19 = vector.shape_cast %get3A_18 : vector<1x896x1024xf32> to vector<896x1024xf32>
      %dot_general3A = arith.constant dense<0.000000e+00> : vector<512x896xf32>
      %dot_general3A_20 = tpu.matmul %get3A_9, %get3A_14, %dot_general3A {dimension_numbers = #tpu.dot_dimension_numbers<[1], [1], [0], [0], [0, 0, 1, 0], [], []>, transpose_lhs_hint = false} : vector<512x1024xf32>, vector<896x1024xf32>, vector<512x896xf32> -> vector<512x896xf32>
      %dot_general3A_21 = arith.constant dense<0.000000e+00> : vector<512x896xf32>
      %dot_general3A_22 = tpu.matmul %get3A_9, %get3A_19, %dot_general3A_21 {dimension_numbers = #tpu.dot_dimension_numbers<[1], [1], [0], [0], [0, 0, 1, 0], [], []>, transpose_lhs_hint = false} : vector<512x1024xf32>, vector<896x1024xf32>, vector<512x896xf32> -> vector<512x896xf32>
      %neg3A = arith.constant 0.000000e+00 : f32
      %neg3A_23 = vector.broadcast %neg3A : f32 to vector<512x896xf32>
      %neg3A_24 = arith.subf %neg3A_23, %dot_general3A_20 : vector<512x896xf32>
      %exp3A = math.exp %neg3A_24 : vector<512x896xf32>
      %add3A = arith.constant 1.000000e+00 : f32
      %add3A_25 = vector.broadcast %add3A : f32 to vector<512x896xf32>
      %add3A_26 = arith.addf %add3A_25, %exp3A : vector<512x896xf32>
      %div3A = arith.constant 1.000000e+00 : f32
      %div3A_27 = vector.broadcast %div3A : f32 to vector<512x896xf32>
      %div3A_28 = arith.divf %div3A_27, %add3A_26 : vector<512x896xf32>
      %mul3A_29 = arith.mulf %dot_general3A_20, %div3A_28 : vector<512x896xf32>
      %mul3A_30 = arith.mulf %mul3A_29, %dot_general3A_22 : vector<512x896xf32>
      %get3A_31 = arith.constant 0 : index
      %get3A_32 = arith.constant 0 : index
      %get3A_33 = arith.constant 0 : index
      %get3A_34 = vector.load %arg9[%get3A_31, %get3A_32, %get3A_33] : memref<1x1024x896xf32, #tpu.memory_space<vmem>>, vector<1x1024x896xf32>
      %get3A_35 = vector.shape_cast %get3A_34 : vector<1x1024x896xf32> to vector<1024x896xf32>
      %dot_general3A_36 = arith.constant dense<0.000000e+00> : vector<512x1024xf32>
      %dot_general3A_37 = tpu.matmul %mul3A_30, %get3A_35, %dot_general3A_36 {dimension_numbers = #tpu.dot_dimension_numbers<[1], [1], [0], [0], [0, 0, 1, 0], [], []>, transpose_lhs_hint = false} : vector<512x896xf32>, vector<1024x896xf32>, vector<512x1024xf32> -> vector<512x1024xf32>
      %iota3A = tpu.iota {dimensions = array<i32: 0>} : vector<512x1xi32>
      %add3A_38 = vector.broadcast %mul3A_6 : i32 to vector<512x1xi32>
      %add3A_39 = arith.addi %add3A_38, %iota3A : vector<512x1xi32>
      %get3A_40 = arith.index_cast %arg1 : i32 to index
      %get3A_41 = memref.load %arg4[%get3A_40] : memref<16xi32, #tpu.memory_space<smem>>
      %ge3A = vector.broadcast %get3A_41 : i32 to vector<512x1xi32>
      %ge3A_42 = arith.cmpi sge, %add3A_39, %ge3A : vector<512x1xi32>
      %get3A_43 = arith.index_cast %arg1 : i32 to index
      %get3A_44 = memref.load %arg5[%get3A_43] : memref<16xi32, #tpu.memory_space<smem>>
      %lt3A = vector.broadcast %get3A_44 : i32 to vector<512x1xi32>
      %lt3A_45 = arith.cmpi slt, %add3A_39, %lt3A : vector<512x1xi32>
      %and3A = arith.andi %ge3A_42, %lt3A_45 : vector<512x1xi1>
      %get3A_46 = arith.index_cast %mul3A_6 : i32 to index
      %get3A_47 = arith.constant 0 : index
      %get3A_48 = vector.load %arg10[%get3A_46, %get3A_47] : memref<4096x1024xf32, #tpu.memory_space<vmem>>, vector<512x1024xf32>
      %eq3A = arith.constant 0 : i32
      %eq3A_49 = arith.cmpi eq, %arg0, %eq3A : i32
      %convert_element_type3A_50 = arith.extui %eq3A_49 : i1 to i32
      %cond3A_51 = arith.constant 0 : i32
      %cond3A_52 = arith.cmpi ne, %convert_element_type3A_50, %cond3A_51 : i32
      scf.if %cond3A_52 {
        %broadcast_in_dim3A = vector.shape_cast %and3A : vector<512x1xi1> to vector<512x1xi1>
        %broadcast_in_dim3A_58 = vector.broadcast %broadcast_in_dim3A : vector<512x1xi1> to vector<512x1024xi1>
        %select_n3A = arith.select %broadcast_in_dim3A_58, %dot_general3A_37, %get3A_48 : vector<512x1024xi1>, vector<512x1024xf32>
        %swap3A = arith.index_cast %mul3A_6 : i32 to index
        %swap3A_59 = arith.constant 0 : index
        %swap3A_60 = vector.load %arg10[%swap3A, %swap3A_59] : memref<4096x1024xf32, #tpu.memory_space<vmem>>, vector<512x1024xf32>
        tpu.vector_store %arg10[%swap3A, %swap3A_59], %select_n3A {strides = array<i32>} : memref<4096x1024xf32, #tpu.memory_space<vmem>>, vector<512x1024xf32>,
      } else {
      }
      %gt3A_53 = arith.constant 0 : i32
      %gt3A_54 = arith.cmpi sgt, %arg0, %gt3A_53 : i32
      %convert_element_type3A_55 = arith.extui %gt3A_54 : i1 to i32
      %cond3A_56 = arith.constant 0 : i32
      %cond3A_57 = arith.cmpi ne, %convert_element_type3A_55, %cond3A_56 : i32
      scf.if %cond3A_57 {
        %add3A_58 = arith.addf %get3A_48, %dot_general3A_37 : vector<512x1024xf32>
        %broadcast_in_dim3A = vector.shape_cast %and3A : vector<512x1xi1> to vector<512x1xi1>
        %broadcast_in_dim3A_59 = vector.broadcast %broadcast_in_dim3A : vector<512x1xi1> to vector<512x1024xi1>
        %select_n3A = arith.select %broadcast_in_dim3A_59, %add3A_58, %get3A_48 : vector<512x1024xi1>, vector<512x1024xf32>
        %swap3A = arith.index_cast %mul3A_6 : i32 to index
        %swap3A_60 = arith.constant 0 : index
        %swap3A_61 = vector.load %arg10[%swap3A, %swap3A_60] : memref<4096x1024xf32, #tpu.memory_space<vmem>>, vector<512x1024xf32>
        tpu.vector_store %arg10[%swap3A, %swap3A_60], %select_n3A {strides = array<i32>} : memref<4096x1024xf32, #tpu.memory_space<vmem>>, vector<512x1024xf32>,
      } else {
      }
    } else {
    }
    return
  }
  func.func @transform_0(%arg0: i32, %arg1: i32, %arg2: memref<16xi32, #tpu.memory_space<smem>>, %arg3: memref<16xi32, #tpu.memory_space<smem>>, %arg4: memref<16xi32, #tpu.memory_space<smem>>, %arg5: memref<16xi32, #tpu.memory_space<smem>>) -> (i32, i32) {
    %c0_i32 = arith.constant 0 : i32
    %c0_i32_0 = arith.constant 0 : i32
    %c0_i32_1 = arith.constant 0 : i32
    return %c0_i32, %c0_i32_0 : i32, i32
  }
  func.func @transform_1(%arg0: i32, %arg1: i32, %arg2: memref<16xi32, #tpu.memory_space<smem>>, %arg3: memref<16xi32, #tpu.memory_space<smem>>, %arg4: memref<16xi32, #tpu.memory_space<smem>>, %arg5: memref<16xi32, #tpu.memory_space<smem>>) -> (i32, i32, i32) {
    %get3A = arith.index_cast %arg1 : i32 to index
    %get3A_0 = memref.load %arg3[%get3A] : memref<16xi32, #tpu.memory_space<smem>>
    %c0_i32 = arith.constant 0 : i32
    %c0_i32_1 = arith.constant 0 : i32
    return %get3A_0, %arg0, %c0_i32 : i32, i32, i32
  }
  func.func @transform_2(%arg0: i32, %arg1: i32, %arg2: memref<16xi32, #tpu.memory_space<smem>>, %arg3: memref<16xi32, #tpu.memory_space<smem>>, %arg4: memref<16xi32, #tpu.memory_space<smem>>, %arg5: memref<16xi32, #tpu.memory_space<smem>>) -> (i32, i32, i32) {
    %get3A = arith.index_cast %arg1 : i32 to index
    %get3A_0 = memref.load %arg3[%get3A] : memref<16xi32, #tpu.memory_space<smem>>
    %c0_i32 = arith.constant 0 : i32
    %c0_i32_1 = arith.constant 0 : i32
    return %get3A_0, %arg0, %c0_i32 : i32, i32, i32
  }
  func.func @transform_3(%arg0: i32, %arg1: i32, %arg2: memref<16xi32, #tpu.memory_space<smem>>, %arg3: memref<16xi32, #tpu.memory_space<smem>>, %arg4: memref<16xi32, #tpu.memory_space<smem>>, %arg5: memref<16xi32, #tpu.memory_space<smem>>) -> (i32, i32, i32) {
    %get3A = arith.index_cast %arg1 : i32 to index
    %get3A_0 = memref.load %arg3[%get3A] : memref<16xi32, #tpu.memory_space<smem>>
    %c0_i32 = arith.constant 0 : i32
    %c0_i32_1 = arith.constant 0 : i32
    return %get3A_0, %c0_i32, %arg0 : i32, i32, i32
  }
  func.func @transform_4(%arg0: i32, %arg1: i32, %arg2: memref<16xi32, #tpu.memory_space<smem>>, %arg3: memref<16xi32, #tpu.memory_space<smem>>, %arg4: memref<16xi32, #tpu.memory_space<smem>>, %arg5: memref<16xi32, #tpu.memory_space<smem>>) -> (i32, i32) {
    %c0_i32 = arith.constant 0 : i32
    %c0_i32_0 = arith.constant 0 : i32
    %c0_i32_1 = arith.constant 0 : i32
    return %c0_i32, %c0_i32_0 : i32, i32
  }
}

</mosaic_0001>

<sc_bundles>
// kernel: kernel.10.cloned.1.call-start
scs
__scs_entry_jumppad:
0x0: {  	(pc) =	sbr.rel $0x88, $3  }
0x1: {  	(tag) =	ssettag $0x0;
	lr =	simm.s32 $0x1  }
0x2: {  	[smem:$0x3F9C] =	sst lr;
	_ =	strace $0xD0000000  }
0x3: {  	_ = 	snop  }
0x4: {  	_ = 	snop  }
0x5: {  	_ = 	snop  }
0x6: {  	_ = 	snop  }
0x7: {  	_ = 	snop  }
__scs_overlays_trampoline_lowered:
0x8: {  	[smem:$0x3FAB] =	sst s0  }
0x9: {  	[smem:$0x3FAC] =	sst s1  }
0xa: {  	[smem:$0x3FAD] =	sst s2  }
0xb: {  	[smem:$0x3FAE] =	sst s3  }
0xc: {  	[smem:$0x3FAF] =	sst s4  }
0xd: {  	[smem:$0x3FB0] =	sst s5  }
0xe: {  	[smem:$0x3FB1] =	sst s6  }
0xf: {  	[smem:$0x3FB2] =	sst s7  }
0x10: {  	[smem:$0x3FB3] =	sst s8  }
0x11: {  	[smem:$0x3FB4] =	sst s9;
	s0 =	simm.s32 @!p0 $0x0  }
0x12: {  	s1 =	sld [smem:$0x3F9A];
	s0 =	simm.s32 @p0 $0x1  }
0x13: {  	[smem:$0x3FB5] =	sst s0;
	s0 =	simm.s32 @!p1 $0x0  }
0x14: {  	s2 =	sld [smem:$0x3F99];
	s0 =	simm.s32 @p1 $0x1  }
0x15: {  	[smem:$0x3FB6] =	sst s0;
	s0 =	simm.s32 @!p2 $0x0  }
0x16: {  	s3 =	sld [smem:$0x3FDB];
	s0 =	simm.s32 @p2 $0x1  }
0x17: {  	s4 =	simm.s32 $0x1BF5;
	[smem:$0x3FB8] =	sst s0  }
0x18: {  	s0 =	sld [smem:$0x3F9B];
	_ =	swait.ge [sflag:s4], $0x0  }
0x19: {  	s7 =	sld [smem:$0x3F9C]  }
0x1a: {  	s8 =	sadd.s32 $0xFFFFE003, lr  }
0x1b: {  	s9 =	sadd.s32 $0xFFFFFEF7, lr;
	s5 =	simm.s32 $0xFFFFFFFF;
	p2 =	slt.u32 s8, $0xFFFFF086  }
0x1c: {  	p1 =	slt.u32 s9, $0xF7A;
	s5 =	simm.s32 @!p2 $0x0  }
0x1d: {  	s5 =	simm.s32 @p1 $0x1;
	p0 =	seq.s32 s7, s2  }
0x1e: {  	s7 =	smul.u32 @!p0 $0xF7A, s2;
	p2 =	seq.s32 @!p0 s5, $0x0  }
0x1f: {  	s9 =	smul.u32 $0xF7A, s1;
	s8 =	simm.s32 @!p0 $0x1BF5;
	p2 =	por !p2, p0  }
0x20: {  	[sflag:s8] =	ssyncset.s32 @!p0 $0xFFFFF086;
	s6 =	sadd.s32 @!p0 s3, s7;
	s7 =	simm.s32 @!p0 $0x108  }
0x21: {  	s3 =	sadd.s32 s3, s9;
	s6 =	sadd.s32 @!p0 $0x88, s6;
	s7 =	simm.s32 @p2 $0x1082  }
0x22: {  	[simem:s7], [sflag:s8] =	dma.local @!p0 [hbm:s6], $0xF7A  }
0x23: {  	s9 =	sor.u32 $0xD0000000, s2;
	s6 =	simm.s32 $0x108;
	_ =	swait.ge @!p0 [sflag:s8], $0x0  }
0x24: {  	s3 =	sadd.s32 $0x88, s3;
	s6 =	simm.s32 @!p1 $0x1082;
	[sflag:s4] =	ssyncset.s32 $0xFFFFF086  }
0x25: {  	[simem:s6], [sflag:s4] =	dma.local [hbm:s3], $0xF7A  }
0x26: {  	[smem:$0x3F9C] =	sst s1;
	(tag) =	ssettag s2;
	_ =	strace s9  }
0x27: {  	s1 =	sld [smem:$0x3FAC]  }
0x28: {  	s2 =	sld [smem:$0x3FAD]  }
0x29: {  	s4 =	sld [smem:$0x3FAF]  }
0x2a: {  	p0 =	seq.s32 s5, $0x0;
	s5 =	sld [smem:$0x3FB0]  }
0x2b: {  	s6 =	sld [smem:$0x3FB1]  }
0x2c: {  	s7 =	sld [smem:$0x3FB2]  }
0x2d: {  	s3 =	simm.s32 $0x108;
	s8 =	sld [smem:$0x3FB3]  }
0x2e: {  	s3 =	simm.s32 @!p0 $0x1082;
	s9 =	sld [smem:$0x3FB4]  }
0x2f: {  	lr =	sadd.s32 s0, s3;
	s0 =	sld [smem:$0x3FAB]  }
0x30: {  	s3 =	sld [smem:$0x3FAE]  }
0x31: {  	[smem:$0x3FB7] =	sst s10  }
0x32: {  	s10 =	sld [smem:$0x3FB5];
	_ =	sdelay $0x3  }
0x33: {  	p0 =	seq.s32 s10, $0x1;
	s10 =	sld [smem:$0x3FB7];
	_ =	sdelay $0x3  }
0x34: {  	[smem:$0x3FB7] =	sst s10  }
0x35: {  	s10 =	sld [smem:$0x3FB6];
	_ =	sdelay $0x3  }
0x36: {  	p1 =	seq.s32 s10, $0x1;
	s10 =	sld [smem:$0x3FB7];
	_ =	sdelay $0x3  }
0x37: {  	[smem:$0x3FB7] =	sst s10  }
0x38: {  	s10 =	sld [smem:$0x3FB8]  }
0x39: {  	_ = 	snop;
	(pc) =	sbr.ind lr, $3  }
0x3a: {  	_ = 	snop  }
0x3b: {  	_ = 	snop  }
0x3c: {  	p2 =	seq.s32 s10, $0x1;
	s10 =	sld [smem:$0x3FB7]  }
0x3d: {  	_ =	shalt  }
0x3e: {  	_ =	shalt  }
0x3f: {  	_ =	shalt  }
0x40: {  	_ =	shalt  }
0x41: {  	_ =	shalt  }
0x42: {  	_ =	shalt  }
0x43: {  	_ =	shalt  }
0x44: {  	_ =	shalt  }
0x45: {  	_ =	shalt  }
0x46: {  	_ =	shalt  }
0x47: {  	_ =	shalt  }
0x48: {  	_ =	shalt  }
0x49: {  	_ =	shalt  }
0x4a: {  	_ =	shalt  }
0x4b: {  	_ =	shalt  }
0x4c: {  	_ =	shalt  }
0x4d: {  	_ =	shalt  }
0x4e: {  	_ =	shalt  }
0x4f: {  	_ =	shalt  }
0x50: {  	_ =	shalt  }
0x51: {  	_ =	shalt  }
0x52: {  	_ =	shalt  }
0x53: {  	_ =	shalt  }
0x54: {  	_ =	shalt  }
0x55: {  	_ =	shalt  }
0x56: {  	_ =	shalt  }
0x57: {  	_ =	shalt  }
0x58: {  	_ =	shalt  }
0x59: {  	_ =	shalt  }
0x5a: {  	_ =	shalt  }
0x5b: {  	_ =	shalt  }
0x5c: {  	_ =	shalt  }
0x5d: {  	_ =	shalt  }
0x5e: {  	_ =	shalt  }
0x5f: {  	_ =	shalt  }
0x60: {  	_ =	shalt  }
0x61: {  	_ =	shalt  }
0x62: {  	_ =	shalt  }
0x63: {  	_ =	shalt  }
0x64: {  	_ =	shalt  }
0x65: {  	_ =	shalt  }
0x66: {  	_ =	shalt  }
0x67: {  	_ =	shalt  }
0x68: {  	_ =	shalt  }
0x69: {  	_ =	shalt  }
0x6a: {  	_ =	shalt  }
0x6b: {  	_ =	shalt  }
0x6c: {  	_ =	shalt  }
0x6d: {  	_ =	shalt  }
0x6e: {  	_ =	shalt  }
0x6f: {  	_ =	shalt  }
0x70: {  	_ =	shalt  }
0x71: {  	_ =	shalt  }
0x72: {  	_ =	shalt  }
0x73: {  	_ =	shalt  }
0x74: {  	_ =	shalt  }
0x75: {  	_ =	shalt  }
0x76: {  	_ =	shalt  }
0x77: {  	_ =	shalt  }
0x78: {  	_ =	shalt  }
0x79: {  	_ =	shalt  }
0x7a: {  	_ =	shalt  }
0x7b: {  	_ =	shalt  }
0x7c: {  	_ =	shalt  }
0x7d: {  	_ =	shalt  }
0x7e: {  	_ =	shalt  }
0x7f: {  	_ =	shalt  }
0x80: {  	_ =	shalt  }
0x81: {  	_ =	shalt  }
0x82: {  	_ =	shalt  }
0x83: {  	_ =	shalt  }
0x84: {  	_ =	shalt  }
0x85: {  	_ =	shalt  }
0x86: {  	_ =	shalt  }
0x87: {  	_ =	shalt  }
.Lfunc_end0:
.L_simem_size_0:
called_computation.1_lowered:
.L_overlay_start_0:
0x88: {  	s2 =	sld [smem:$0x3FD9]  }
0x89: {  	s3 =	sld [smem:$0x3FFE];
	_ =	sdelay $0x1  }
0x8a: {  	s1 =	srdreg.scid  }
0x8b: {  	s0 =	sand.u32 $0x1, s1  }
0x8c: {  	s16 =	sshll.u32 s0, $0xA;
	s2 =	sadd.s32 s3, s2  }
0x8d: {  	s2 =	sadd.s32 s2, s16  }
0x8e: {  	[smem:$0x3FC3] =	sst s2  }
0x8f: {  	_ = 	snop  }
0x90: {  	(tm) =	ssettm $0x1  }
0x91: {  	s17 =	sld [smem:$0x3FFB];
	_ =	sdelay $0x3  }
0x92: {  	_ =	strace s17  }
0x93: {  	s2 =	sld [smem:$0x3FFC];
	_ =	sdelay $0x3  }
0x94: {  	_ =	strace s2  }
0x95: {  	s2 =	sld [smem:$0x3FFD];
	_ =	sdelay $0x3  }
0x96: {  	_ =	strace s2  }
0x97: {  	_ =	strace $0x8FFFFFFF  }
0x98: {  	s18 =	sld [smem:$0x3FDB];
	_ =	sdelay $0x1  }
0x99: {  	s19 =	simm.s32 $_scs_section_size  }
0x9a: {  	s4 =	simm.s32 $_size__tile_overlayer_lowered;
	s5 =	simm.s32 $_tile_overlayer_lowered  }
0x9b: {  	s22 =	simm.s32 $0x1BFF;
	s21 =	sshll.u32 s5, $0x1;
	s2 =	sadd.s32 s19, s18  }
0x9c: {  	s6 =	simm.s32 $0x0;
	s20 =	sshll.u32 s4, $0x1;
	s4 =	sadd.s32 s21, s2  }
0x9d: {  	[timem:s6], [sflag:s22] =	dma.local [hbm:s4], s20  }
0x9e: {  	_ =	swait.ge [sflag:s22], s20  }
0x9f: {  	s3 =	ssub.s32 $0x0, s20;
	[sflag:s22] =	ssyncset.done $0x0  }
0xa0: {  	[sflag:s22] =	ssyncadd.s32 s3;
	_ =	sdelay $0x1  }
0xa1: {  	s23 =	simm.s32 $0x1B8B  }
0xa2: {  	_ =	swait.ge [sflag:s23], $0x1  }
0xa3: {  	[sflag:s23] =	ssyncset.done $0x0  }
0xa4: {  	s25 =	simm.s32 $0x1B8E;
	s24 =	sld [smem:$0x3FFE];
	[sflag:s23] =	ssyncadd.s32 $0xFFFFFFFF  }
0xa5: {  	s26 =	simm.s32 $execute0_lowered;
	[smem:$0x3FD2] =	sst s25  }
0xa6: {  	s4 =	sshll.u32 s26, $0x1;
	_ =	strace $0x80000049;
	[dreg:$0x1] =	wrdreg $0xFFFFFFFF  }
0xa7: {  	s28 =	simm.s32 $_size_execute0_lowered;
	s2 =	sadd.s32 s2, s4;
	[dreg:$0x0] =	wrdreg $0x0  }
0xa8: {  	s4 =	sshll.u32 s28, $0x1;
	[dreg:$0x2] =	wrdreg s2  }
0xa9: {  	[dreg:$0x3] =	wrdreg s4  }
0xaa: {  	[dreg:$0x4] =	wrdreg $0xC0  }
0xab: {  	_ =	task [dreg:s6], $0x5FFFF  }
0xac: {  	[dreg:$0x1] =	wrdreg $0xFFFFFFFF  }
0xad: {  	[dreg:$0x0] =	wrdreg $0x60  }
0xae: {  	[dreg:$0x2] =	wrdreg s24  }
0xaf: {  	[dreg:$0x3] =	wrdreg $0x9  }
0xb0: {  	_ =	task.clear_ibuf [dreg:s6], $0x4FFFF;
	_ =	strace $0x90000049  }
0xb1: {  	s29 =	simm.s32 $0x9;
	_ =	strace $0x8000004B  }
0xb2: {  	_ =	swait.ge [sflag:s29], $0x1  }
0xb3: {  	[sflag:s29] =	ssyncadd.s32 $0xFFFFFFFF  }
0xb4: {  	_ =	strace $0x9000004B  }
0xb5: {  	_ =	sfence  }
0xb6: {  	s30 =	sld [smem:$0x0];
	_ =	sdelay $0x2  }
0xb7: {  	s31 =	sshll.u32 s1, $0xD;
	s1 =	sshrl.u32 s1, $0x2  }
0xb8: {  	s3 =	sand.u32 $0x4000, s31;
	s1 =	sadd.s32 s1, s30  }
0xb9: {  	s0 =	sor.u32 s3, s0;
	s1 =	sshll.u32 s1, $0x11  }
0xba: {  	s0 =	sor.u32 s1, s0  }
0xbb: {  	s0 =	sadd.s32 $0x8F2B, s0  }
0xbc: {  	[sflag:s0] =	ssyncadd.remote.s32 $0x1  }
0xbd: {  	_ =	sfence.sel $0xFFFF  }
0xbe: {  	[dreg:$0x0] =	wrdreg $0xFFFFFFFF;
	(pc) =	sbr.abs _section_cstart, $3  }
0xbf: {  	[dreg:$0x1] =	wrdreg $0xFFFFFFFF  }
0xc0: {  	_ =	task.clear_ibuf [dreg:s6], $0x2FFFF;
	_ =	strace $0x9FFFFFFF  }
0xc1: {  	(tm) =	ssettm $0x7FFFFFFF  }
tec
execute0_lowered:
.L_overlay_start_1:
0x0: {  	(tag) =	ssettag $0x1  }
0x1: {  	s0 =	srdreg.scid  }
0x2: {  	s2 =	stileid.u32;
	s1 =	rddreg [dreg:$0x0];
	s8 =	simm.s32 $0x3  }
0x3: {  	s9 =	simm.s32 $0x1;
	s19 =	simm.s32 $0x2;
	s21 =	simm.s32 $0x880  }
0x4: {  	s22 =	simm.s32 $0x1080;
	s23 =	simm.s32 $0x1880;
	s28 =	simm.s32 $0x3080  }
0x5: {  	s29 =	simm.s32 $0x3880;
	s30 =	simm.s32 $0x4080;
	s31 =	simm.s32 $0x4880  }
0x6: {  	s10 =	simm.s32 $0x6080;
	s11 =	simm.s32 $0x6880;
	s12 =	simm.s32 $0x7080  }
0x7: {  	s13 =	simm.s32 $0x7880;
	s18 =	simm.s32 $0x8080;
	s14 =	simm.s32 $0x8880  }
0x8: {  	s15 =	simm.s32 $0x9080;
	s16 =	simm.s32 $0x9880;
	s0 =	sand.u32 $0x1, s0  }
0x9: {  	s3 =	sshll.u32 s2, $0x8;
	s2 =	simm.s32 $0x0;
	s4 =	sshll.u32 s0, $0x7  }
0xa: {  	s17 =	simm.s32 $0xA080;
	[smem:$0x7FF] =	sst s2;
	s3 =	sor.u32 s4, s3  }
0xb: {  	s0 =	ssub.s32 $0x2, s0;
	_ =	strace $0x8000004A;
	s4 =	sshrl.u32 s3, $0x3  }
0xc: {  	s6 =	sshrl.u32 s0, $0x1;
	s5 =	sshll.u32 s3, $0x7;
	s4 =	sadd.s32 s4, s1  }
0xd: {  	s3 =	sadd.s32 $0x80E00, s1;
	s5 =	sadd.s32 s5, s1;
	s4 =	sadd.s32 $0x400, s4  }
0xe: {  	s0 =	ssub.s32 s0, s6;
	s24 =	sadd.s32 $0x600, s5;
	[dreg:$0x2] =	wrdreg s4  }
0xf: {  	s6 =	sadd.s32 $0x81100, s1;
	s25 =	sadd.s32 $0x1600, s5;
	[dreg:$0x3] =	wrdreg s24  }
0x10: {  	s26 =	sadd.s32 $0x2600, s5;
	s7 =	sadd.s32 $0x3600, s5;
	[dreg:$0x4] =	wrdreg s25  }
0x11: {  	v2 =	vlaneseq.u32;
	s5 =	sadd.s32 $0x81000, s1;
	s4 =	sadd.s32 $0x80F00, s1;
	[dreg:$0x5] =	wrdreg s26  }
0x12: {  	vm0 =	vmmov $0xffff;
	v1 =	vshrl.u32 v2, $0x3;
	[dreg:$0x6] =	wrdreg s7;
	s7 =	smax.u32 s0, $0x1;
	s25 =	simm.s32 $0x80  }
0x13: {  	v0 =	vand.u32 $0x7, v2;
	v2 =	vor.u32 $0x8, v2;
	v1 =	vmul.u32 $0x8, v1;
	s24 =	simm.s32 $0x2080;
	s26 =	simm.s32 $0x2880;
	s1 =	simm.s32 $0x5080  }
.LBB2_1:
0x14: {  	s20 =	rddreg [dreg:$0x2]  }
0x15: {  	[tilespmem:s2], [sflag:$0x3] =	stream.linear.gather [hbm4b:s20+s2], $0x80, $0x38;
	[tilespmem:$0x10080] =	vst v63  }
0x16: {  	_ =	swait.ge [sflag:s8], $0x80  }
0x17: {  	[sflag:s8] =	ssyncset.done $0x0  }
0x18: {  	[sflag:s8] =	ssyncadd.s32 $0xFFFFFF80  }
0x19: {  	v3 =	vld [tilespmem:$0x0];
	_ =	sdelay $0x4  }
0x1a: {  	v4 =	vshll.u32 v3, $0x3  }
0x1b: {  	v3 =	vand.u32 $0x7, v3;
	v4 =	vand.u32 $0xFFFFFFC0, v4  }
0x1c: {  	v3 =	vor.u32 v3, v4  }
0x1d: {  	v4 =	vperm.xlane v3, v0;
	_ =	sdelay $0x1  }
0x1e: {  	v4 =	vadd.s32 v1, v4;
	_ =	sdelay $0x4  }
0x1f: {  	[tilespmem:s25], [sflag:$0x1] =	stream.indirect_vreg.gather [hbm4b:s3+s2], $0x80, v4, vm0, $0xb8;
	[tilespmem:$0x10080] =	vst v63  }
0x20: {  	v3 =	vperm.xlane v3, v2  }
0x21: {  	[tilespmem:s21], [sflag:$0x1] =	stream.indirect_vreg.gather [hbm4b:s4+s2], $0x80, v4, vm0, $0xb8;
	[tilespmem:$0x10080] =	vst v63  }
0x22: {  	v3 =	vadd.s32 v1, v3  }
0x23: {  	[tilespmem:s22], [sflag:$0x1] =	stream.indirect_vreg.gather [hbm4b:s5+s2], $0x80, v4, vm0, $0xb8;
	[tilespmem:$0x10080] =	vst v63  }
0x24: {  	_ = 	snop  }
0x25: {  	[tilespmem:s23], [sflag:$0x1] =	stream.indirect_vreg.gather [hbm4b:s6+s2], $0x80, v4, vm0, $0xb8;
	[tilespmem:$0x10080] =	vst v63  }
0x26: {  	_ = 	snop  }
0x27: {  	[tilespmem:s24], [sflag:$0x1] =	stream.indirect_vreg.gather [hbm4b:s3+s2], $0x80, v3, vm0, $0xb8;
	[tilespmem:$0x10080] =	vst v63  }
0x28: {  	_ = 	snop  }
0x29: {  	[tilespmem:s26], [sflag:$0x1] =	stream.indirect_vreg.gather [hbm4b:s4+s2], $0x80, v3, vm0, $0xb8;
	[tilespmem:$0x10080] =	vst v63  }
0x2a: {  	_ = 	snop  }
0x2b: {  	[tilespmem:s28], [sflag:$0x1] =	stream.indirect_vreg.gather [hbm4b:s5+s2], $0x80, v3, vm0, $0xb8;
	[tilespmem:$0x10080] =	vst v63  }
0x2c: {  	_ = 	snop  }
0x2d: {  	[tilespmem:s29], [sflag:$0x1] =	stream.indirect_vreg.gather [hbm4b:s6+s2], $0x80, v3, vm0, $0xb8;
	[tilespmem:$0x10080] =	vst v63  }
0x2e: {  	v3 =	vld [tilespmem:$0x10];
	_ =	sdelay $0x4  }
0x2f: {  	v57 =	vshll.u32 v3, $0x3  }
0x30: {  	v3 =	vand.u32 $0x7, v3;
	v4 =	vand.u32 $0xFFFFFFC0, v57  }
0x31: {  	v3 =	vor.u32 v3, v4  }
0x32: {  	v4 =	vperm.xlane v3, v0;
	_ =	sdelay $0x1  }
0x33: {  	v4 =	vadd.s32 v1, v4;
	_ =	sdelay $0x4  }
0x34: {  	[tilespmem:s30], [sflag:$0x1] =	stream.indirect_vreg.gather [hbm4b:s3+s2], $0x80, v4, vm0, $0xb8;
	[tilespmem:$0x10080] =	vst v63  }
0x35: {  	v3 =	vperm.xlane v3, v2  }
0x36: {  	[tilespmem:s31], [sflag:$0x1] =	stream.indirect_vreg.gather [hbm4b:s4+s2], $0x80, v4, vm0, $0xb8;
	[tilespmem:$0x10080] =	vst v63  }
0x37: {  	v3 =	vadd.s32 v1, v3  }
0x38: {  	[tilespmem:s1], [sflag:$0x1] =	stream.indirect_vreg.gather [hbm4b:s5+s2], $0x80, v4, vm0, $0xb8;
	[tilespmem:$0x10080] =	vst v63  }
0x39: {  	s0 =	simm.s32 $0x5880  }
0x3a: {  	[tilespmem:s0], [sflag:$0x1] =	stream.indirect_vreg.gather [hbm4b:s6+s2], $0x80, v4, vm0, $0xb8;
	[tilespmem:$0x10080] =	vst v63  }
0x3b: {  	_ = 	snop  }
0x3c: {  	[tilespmem:s10], [sflag:$0x1] =	stream.indirect_vreg.gather [hbm4b:s3+s2], $0x80, v3, vm0, $0xb8;
	[tilespmem:$0x10080] =	vst v63  }
0x3d: {  	_ = 	snop  }
0x3e: {  	[tilespmem:s11], [sflag:$0x1] =	stream.indirect_vreg.gather [hbm4b:s4+s2], $0x80, v3, vm0, $0xb8;
	[tilespmem:$0x10080] =	vst v63  }
0x3f: {  	_ = 	snop  }
0x40: {  	[tilespmem:s12], [sflag:$0x1] =	stream.indirect_vreg.gather [hbm4b:s5+s2], $0x80, v3, vm0, $0xb8;
	[tilespmem:$0x10080] =	vst v63  }
0x41: {  	_ = 	snop  }
0x42: {  	[tilespmem:s13], [sflag:$0x1] =	stream.indirect_vreg.gather [hbm4b:s6+s2], $0x80, v3, vm0, $0xb8;
	[tilespmem:$0x10080] =	vst v63  }
0x43: {  	v3 =	vld [tilespmem:$0x20];
	_ =	sdelay $0x4  }
0x44: {  	v58 =	vshll.u32 v3, $0x3  }
0x45: {  	v3 =	vand.u32 $0x7, v3;
	v4 =	vand.u32 $0xFFFFFFC0, v58  }
0x46: {  	v3 =	vor.u32 v3, v4  }
0x47: {  	v4 =	vperm.xlane v3, v0;
	_ =	sdelay $0x1  }
0x48: {  	v4 =	vadd.s32 v1, v4;
	_ =	sdelay $0x4  }
0x49: {  	[tilespmem:s18], [sflag:$0x2] =	stream.indirect_vreg.gather [hbm4b:s3+s2], $0x80, v4, vm0, $0xb8;
	[tilespmem:$0x10080] =	vst v63  }
0x4a: {  	v3 =	vperm.xlane v3, v2  }
0x4b: {  	[tilespmem:s14], [sflag:$0x2] =	stream.indirect_vreg.gather [hbm4b:s4+s2], $0x80, v4, vm0, $0xb8;
	[tilespmem:$0x10080] =	vst v63  }
0x4c: {  	v3 =	vadd.s32 v1, v3  }
0x4d: {  	[tilespmem:s15], [sflag:$0x2] =	stream.indirect_vreg.gather [hbm4b:s5+s2], $0x80, v4, vm0, $0xb8;
	[tilespmem:$0x10080] =	vst v63  }
0x4e: {  	_ = 	snop  }
0x4f: {  	[tilespmem:s16], [sflag:$0x2] =	stream.indirect_vreg.gather [hbm4b:s6+s2], $0x80, v4, vm0, $0xb8;
	[tilespmem:$0x10080] =	vst v63  }
0x50: {  	_ = 	snop  }
0x51: {  	[tilespmem:s17], [sflag:$0x2] =	stream.indirect_vreg.gather [hbm4b:s3+s2], $0x80, v3, vm0, $0xb8;
	[tilespmem:$0x10080] =	vst v63  }
0x52: {  	s20 =	simm.s32 $0xA880  }
0x53: {  	[tilespmem:s20], [sflag:$0x2] =	stream.indirect_vreg.gather [hbm4b:s4+s2], $0x80, v3, vm0, $0xb8;
	[tilespmem:$0x10080] =	vst v63  }
0x54: {  	s20 =	simm.s32 $0xB080  }
0x55: {  	[tilespmem:s20], [sflag:$0x2] =	stream.indirect_vreg.gather [hbm4b:s5+s2], $0x80, v3, vm0, $0xb8;
	[tilespmem:$0x10080] =	vst v63  }
0x56: {  	s20 =	simm.s32 $0xB880  }
0x57: {  	[tilespmem:s20], [sflag:$0x2] =	stream.indirect_vreg.gather [hbm4b:s6+s2], $0x80, v3, vm0, $0xb8;
	[tilespmem:$0x10080] =	vst v63  }
0x58: {  	v3 =	vld [tilespmem:$0x30];
	_ =	sdelay $0x4  }
0x59: {  	v59 =	vshll.u32 v3, $0x3  }
0x5a: {  	v3 =	vand.u32 $0x7, v3;
	v4 =	vand.u32 $0xFFFFFFC0, v59  }
0x5b: {  	v3 =	vor.u32 v3, v4  }
0x5c: {  	v4 =	vperm.xlane v3, v0;
	_ =	sdelay $0x1  }
0x5d: {  	v4 =	vadd.s32 v1, v4;
	_ =	sdelay $0x3  }
0x5e: {  	s20 =	simm.s32 $0xC080  }
0x5f: {  	[tilespmem:s20], [sflag:$0x2] =	stream.indirect_vreg.gather [hbm4b:s3+s2], $0x80, v4, vm0, $0xb8;
	[tilespmem:$0x10080] =	vst v63  }
0x60: {  	v3 =	vperm.xlane v3, v2;
	s20 =	simm.s32 $0xC880  }
0x61: {  	[tilespmem:s20], [sflag:$0x2] =	stream.indirect_vreg.gather [hbm4b:s4+s2], $0x80, v4, vm0, $0xb8;
	[tilespmem:$0x10080] =	vst v63  }
0x62: {  	v3 =	vadd.s32 v1, v3;
	s20 =	simm.s32 $0xD080  }
0x63: {  	[tilespmem:s20], [sflag:$0x2] =	stream.indirect_vreg.gather [hbm4b:s5+s2], $0x80, v4, vm0, $0xb8;
	[tilespmem:$0x10080] =	vst v63  }
0x64: {  	s20 =	simm.s32 $0xD880  }
0x65: {  	[tilespmem:s20], [sflag:$0x2] =	stream.indirect_vreg.gather [hbm4b:s6+s2], $0x80, v4, vm0, $0xb8;
	[tilespmem:$0x10080] =	vst v63  }
0x66: {  	s20 =	simm.s32 $0xE080  }
0x67: {  	[tilespmem:s20], [sflag:$0x2] =	stream.indirect_vreg.gather [hbm4b:s3+s2], $0x80, v3, vm0, $0xb8;
	[tilespmem:$0x10080] =	vst v63  }
0x68: {  	s20 =	simm.s32 $0xE880  }
0x69: {  	[tilespmem:s20], [sflag:$0x2] =	stream.indirect_vreg.gather [hbm4b:s4+s2], $0x80, v3, vm0, $0xb8;
	[tilespmem:$0x10080] =	vst v63  }
0x6a: {  	s20 =	simm.s32 $0xF080  }
0x6b: {  	[tilespmem:s20], [sflag:$0x2] =	stream.indirect_vreg.gather [hbm4b:s5+s2], $0x80, v3, vm0, $0xb8;
	[tilespmem:$0x10080] =	vst v63  }
0x6c: {  	s20 =	simm.s32 $0xF880  }
0x6d: {  	[tilespmem:s20], [sflag:$0x2] =	stream.indirect_vreg.gather [hbm4b:s6+s2], $0x80, v3, vm0, $0xb8;
	[tilespmem:$0x10080] =	vst v63  }
0x6e: {  	_ =	swait.ge [sflag:s9], $0x8000  }
0x6f: {  	[sflag:s9] =	ssyncset.done $0x0  }
0x70: {  	s20 =	rddreg [dreg:$0x3];
	[sflag:s9] =	ssyncadd.s32 $0xFFFF8000  }
0x71: {  	[hbm4b:s20+s2] =	stream.linear.scatter [tilespmem:s25], [sflag:$0x3], $0x8000, $0x38;
	[tilespmem:$0x10080] =	vst v63  }
0x72: {  	_ =	swait.ge [sflag:s8], $0x8000  }
0x73: {  	[sflag:s8] =	ssyncset.done $0x0  }
0x74: {  	[sflag:s8] =	ssyncadd.s32 $0xFFFF8000  }
0x75: {  	v3 =	vld [tilespmem:$0x40];
	_ =	sdelay $0x4  }
0x76: {  	v60 =	vshll.u32 v3, $0x3  }
0x77: {  	v3 =	vand.u32 $0x7, v3;
	v4 =	vand.u32 $0xFFFFFFC0, v60  }
0x78: {  	v3 =	vor.u32 v3, v4  }
0x79: {  	v4 =	vperm.xlane v3, v0;
	_ =	sdelay $0x1  }
0x7a: {  	v4 =	vadd.s32 v1, v4;
	_ =	sdelay $0x4  }
0x7b: {  	[tilespmem:s25], [sflag:$0x1] =	stream.indirect_vreg.gather [hbm4b:s3+s2], $0x80, v4, vm0, $0xb8;
	[tilespmem:$0x10080] =	vst v63  }
0x7c: {  	v3 =	vperm.xlane v3, v2  }
0x7d: {  	[tilespmem:s21], [sflag:$0x1] =	stream.indirect_vreg.gather [hbm4b:s4+s2], $0x80, v4, vm0, $0xb8;
	[tilespmem:$0x10080] =	vst v63  }
0x7e: {  	v3 =	vadd.s32 v1, v3  }
0x7f: {  	[tilespmem:s22], [sflag:$0x1] =	stream.indirect_vreg.gather [hbm4b:s5+s2], $0x80, v4, vm0, $0xb8;
	[tilespmem:$0x10080] =	vst v63  }
0x80: {  	_ = 	snop  }
0x81: {  	[tilespmem:s23], [sflag:$0x1] =	stream.indirect_vreg.gather [hbm4b:s6+s2], $0x80, v4, vm0, $0xb8;
	[tilespmem:$0x10080] =	vst v63  }
0x82: {  	_ = 	snop  }
0x83: {  	[tilespmem:s24], [sflag:$0x1] =	stream.indirect_vreg.gather [hbm4b:s3+s2], $0x80, v3, vm0, $0xb8;
	[tilespmem:$0x10080] =	vst v63  }
0x84: {  	_ = 	snop  }
0x85: {  	[tilespmem:s26], [sflag:$0x1] =	stream.indirect_vreg.gather [hbm4b:s4+s2], $0x80, v3, vm0, $0xb8;
	[tilespmem:$0x10080] =	vst v63  }
0x86: {  	_ = 	snop  }
0x87: {  	[tilespmem:s28], [sflag:$0x1] =	stream.indirect_vreg.gather [hbm4b:s5+s2], $0x80, v3, vm0, $0xb8;
	[tilespmem:$0x10080] =	vst v63  }
0x88: {  	_ = 	snop  }
0x89: {  	[tilespmem:s29], [sflag:$0x1] =	stream.indirect_vreg.gather [hbm4b:s6+s2], $0x80, v3, vm0, $0xb8;
	[tilespmem:$0x10080] =	vst v63  }
0x8a: {  	v3 =	vld [tilespmem:$0x50];
	_ =	sdelay $0x4  }
0x8b: {  	v61 =	vshll.u32 v3, $0x3  }
0x8c: {  	v3 =	vand.u32 $0x7, v3;
	v4 =	vand.u32 $0xFFFFFFC0, v61  }
0x8d: {  	v3 =	vor.u32 v3, v4  }
0x8e: {  	v4 =	vperm.xlane v3, v0;
	_ =	sdelay $0x1  }
0x8f: {  	v4 =	vadd.s32 v1, v4;
	_ =	sdelay $0x4  }
0x90: {  	[tilespmem:s30], [sflag:$0x1] =	stream.indirect_vreg.gather [hbm4b:s3+s2], $0x80, v4, vm0, $0xb8;
	[tilespmem:$0x10080] =	vst v63  }
0x91: {  	v3 =	vperm.xlane v3, v2  }
0x92: {  	[tilespmem:s31], [sflag:$0x1] =	stream.indirect_vreg.gather [hbm4b:s4+s2], $0x80, v4, vm0, $0xb8;
	[tilespmem:$0x10080] =	vst v63  }
0x93: {  	v3 =	vadd.s32 v1, v3  }
0x94: {  	[tilespmem:s1], [sflag:$0x1] =	stream.indirect_vreg.gather [hbm4b:s5+s2], $0x80, v4, vm0, $0xb8;
	[tilespmem:$0x10080] =	vst v63  }
0x95: {  	_ = 	snop  }
0x96: {  	[tilespmem:s0], [sflag:$0x1] =	stream.indirect_vreg.gather [hbm4b:s6+s2], $0x80, v4, vm0, $0xb8;
	[tilespmem:$0x10080] =	vst v63  }
0x97: {  	_ = 	snop  }
0x98: {  	[tilespmem:s10], [sflag:$0x1] =	stream.indirect_vreg.gather [hbm4b:s3+s2], $0x80, v3, vm0, $0xb8;
	[tilespmem:$0x10080] =	vst v63  }
0x99: {  	_ = 	snop  }
0x9a: {  	[tilespmem:s11], [sflag:$0x1] =	stream.indirect_vreg.gather [hbm4b:s4+s2], $0x80, v3, vm0, $0xb8;
	[tilespmem:$0x10080] =	vst v63  }
0x9b: {  	_ = 	snop  }
0x9c: {  	[tilespmem:s12], [sflag:$0x1] =	stream.indirect_vreg.gather [hbm4b:s5+s2], $0x80, v3, vm0, $0xb8;
	[tilespmem:$0x10080] =	vst v63  }
0x9d: {  	_ = 	snop  }
0x9e: {  	[tilespmem:s13], [sflag:$0x1] =	stream.indirect_vreg.gather [hbm4b:s6+s2], $0x80, v3, vm0, $0xb8;
	[tilespmem:$0x10080] =	vst v63  }
0x9f: {  	_ =	swait.ge [sflag:s19], $0x8000  }
0xa0: {  	[sflag:s19] =	ssyncset.done $0x0  }
0xa1: {  	s0 =	rddreg [dreg:$0x4];
	[sflag:s19] =	ssyncadd.s32 $0xFFFF8000  }
0xa2: {  	[hbm4b:s0+s2] =	stream.linear.scatter [tilespmem:s18], [sflag:$0x3], $0x8000, $0x38;
	[tilespmem:$0x10080] =	vst v63  }
0xa3: {  	_ =	swait.ge [sflag:s8], $0x8000  }
0xa4: {  	[sflag:s8] =	ssyncset.done $0x0  }
0xa5: {  	[sflag:s8] =	ssyncadd.s32 $0xFFFF8000  }
0xa6: {  	v3 =	vld [tilespmem:$0x60];
	_ =	sdelay $0x4  }
0xa7: {  	v62 =	vshll.u32 v3, $0x3  }
0xa8: {  	v3 =	vand.u32 $0x7, v3;
	v4 =	vand.u32 $0xFFFFFFC0, v62  }
0xa9: {  	v3 =	vor.u32 v3, v4  }
0xaa: {  	v4 =	vperm.xlane v3, v0;
	_ =	sdelay $0x1  }
0xab: {  	v4 =	vadd.s32 v1, v4;
	_ =	sdelay $0x4  }
0xac: {  	[tilespmem:s18], [sflag:$0x2] =	stream.indirect_vreg.gather [hbm4b:s3+s2], $0x80, v4, vm0, $0xb8;
	[tilespmem:$0x10080] =	vst v63  }
0xad: {  	v3 =	vperm.xlane v3, v2  }
0xae: {  	[tilespmem:s14], [sflag:$0x2] =	stream.indirect_vreg.gather [hbm4b:s4+s2], $0x80, v4, vm0, $0xb8;
	[tilespmem:$0x10080] =	vst v63  }
0xaf: {  	v3 =	vadd.s32 v1, v3  }
0xb0: {  	[tilespmem:s15], [sflag:$0x2] =	stream.indirect_vreg.gather [hbm4b:s5+s2], $0x80, v4, vm0, $0xb8;
	[tilespmem:$0x10080] =	vst v63  }
0xb1: {  	_ = 	snop  }
0xb2: {  	[tilespmem:s16], [sflag:$0x2] =	stream.indirect_vreg.gather [hbm4b:s6+s2], $0x80, v4, vm0, $0xb8;
	[tilespmem:$0x10080] =	vst v63  }
0xb3: {  	_ = 	snop  }
0xb4: {  	[tilespmem:s17], [sflag:$0x2] =	stream.indirect_vreg.gather [hbm4b:s3+s2], $0x80, v3, vm0, $0xb8;
	[tilespmem:$0x10080] =	vst v63  }
0xb5: {  	s20 =	simm.s32 $0xA880  }
0xb6: {  	[tilespmem:s20], [sflag:$0x2] =	stream.indirect_vreg.gather [hbm4b:s4+s2], $0x80, v3, vm0, $0xb8;
	[tilespmem:$0x10080] =	vst v63  }
0xb7: {  	s20 =	simm.s32 $0xB080  }
0xb8: {  	[tilespmem:s20], [sflag:$0x2] =	stream.indirect_vreg.gather [hbm4b:s5+s2], $0x80, v3, vm0, $0xb8;
	[tilespmem:$0x10080] =	vst v63  }
0xb9: {  	s20 =	simm.s32 $0xB880  }
0xba: {  	[tilespmem:s20], [sflag:$0x2] =	stream.indirect_vreg.gather [hbm4b:s6+s2], $0x80, v3, vm0, $0xb8;
	[tilespmem:$0x10080] =	vst v63  }
0xbb: {  	v3 =	vld [tilespmem:$0x70];
	_ =	sdelay $0x4  }
0xbc: {  	v63 =	vshll.u32 v3, $0x3  }
0xbd: {  	v3 =	vand.u32 $0x7, v3;
	v4 =	vand.u32 $0xFFFFFFC0, v63  }
0xbe: {  	v3 =	vor.u32 v3, v4  }
0xbf: {  	v4 =	vperm.xlane v3, v0;
	_ =	sdelay $0x1  }
0xc0: {  	v4 =	vadd.s32 v1, v4;
	_ =	sdelay $0x3  }
0xc1: {  	s20 =	simm.s32 $0xC080  }
0xc2: {  	[tilespmem:s20], [sflag:$0x2] =	stream.indirect_vreg.gather [hbm4b:s3+s2], $0x80, v4, vm0, $0xb8;
	[tilespmem:$0x10080] =	vst v63  }
0xc3: {  	v3 =	vperm.xlane v3, v2;
	s20 =	simm.s32 $0xC880  }
0xc4: {  	[tilespmem:s20], [sflag:$0x2] =	stream.indirect_vreg.gather [hbm4b:s4+s2], $0x80, v4, vm0, $0xb8;
	[tilespmem:$0x10080] =	vst v63  }
0xc5: {  	v3 =	vadd.s32 v1, v3;
	s20 =	simm.s32 $0xD080  }
0xc6: {  	[tilespmem:s20], [sflag:$0x2] =	stream.indirect_vreg.gather [hbm4b:s5+s2], $0x80, v4, vm0, $0xb8;
	[tilespmem:$0x10080] =	vst v63  }
0xc7: {  	s20 =	simm.s32 $0xD880  }
0xc8: {  	[tilespmem:s20], [sflag:$0x2] =	stream.indirect_vreg.gather [hbm4b:s6+s2], $0x80, v4, vm0, $0xb8;
	[tilespmem:$0x10080] =	vst v63  }
0xc9: {  	s20 =	simm.s32 $0xE080  }
0xca: {  	[tilespmem:s20], [sflag:$0x2] =	stream.indirect_vreg.gather [hbm4b:s3+s2], $0x80, v3, vm0, $0xb8;
	[tilespmem:$0x10080] =	vst v63  }
0xcb: {  	s20 =	simm.s32 $0xE880  }
0xcc: {  	[tilespmem:s20], [sflag:$0x2] =	stream.indirect_vreg.gather [hbm4b:s4+s2], $0x80, v3, vm0, $0xb8;
	[tilespmem:$0x10080] =	vst v63  }
0xcd: {  	s20 =	simm.s32 $0xF080  }
0xce: {  	[tilespmem:s20], [sflag:$0x2] =	stream.indirect_vreg.gather [hbm4b:s5+s2], $0x80, v3, vm0, $0xb8;
	[tilespmem:$0x10080] =	vst v63  }
0xcf: {  	s20 =	simm.s32 $0xF880  }
0xd0: {  	[tilespmem:s20], [sflag:$0x2] =	stream.indirect_vreg.gather [hbm4b:s6+s2], $0x80, v3, vm0, $0xb8;
	[tilespmem:$0x10080] =	vst v63  }
0xd1: {  	_ =	swait.ge [sflag:s9], $0x8000  }
0xd2: {  	[sflag:s9] =	ssyncset.done $0x0  }
0xd3: {  	s0 =	rddreg [dreg:$0x5];
	[sflag:s9] =	ssyncadd.s32 $0xFFFF8000  }
0xd4: {  	[hbm4b:s0+s2] =	stream.linear.scatter [tilespmem:s25], [sflag:$0x3], $0x8000, $0x38;
	[tilespmem:$0x10080] =	vst v63  }
0xd5: {  	_ =	swait.ge [sflag:s8], $0x8000  }
0xd6: {  	[sflag:s8] =	ssyncset.done $0x0  }
0xd7: {  	[sflag:s8] =	ssyncadd.s32 $0xFFFF8000  }
0xd8: {  	_ =	swait.ge [sflag:s19], $0x8000  }
0xd9: {  	p0 =	sne.s32 s7, $0x1;
	[sflag:s19] =	ssyncset.done $0x0  }
.Ltmp0:
0xda: {  	s0 =	rddreg [dreg:$0x6];
	[sflag:s19] =	ssyncadd.s32 $0xFFFF8000;
	(pc) =	sbr.rel @p0 .LBB2_1-.Ltmp0, $4  }
0xdb: {  	[hbm4b:s0+s2] =	stream.linear.scatter [tilespmem:s18], [sflag:$0x3], $0x8000, $0x38;
	[tilespmem:$0x10080] =	vst v63  }
0xdc: {  	_ =	swait.ge [sflag:s8], $0x8000  }
0xdd: {  	[sflag:s8] =	ssyncset.done $0x0  }
0xde: {  	s7 =	sadd.s32 $0xFFFFFFFF, s7;
	[sflag:s8] =	ssyncadd.s32 $0xFFFF8000  }
0xdf: {  	_ =	sfence.sel $0x180000  }
0xe0: {  	[bflag:$0x0] =	sbarrier.arrive $0xFFFF  }
0xe1: {  	_ =	strace $0x9000004A  }
0xe2: {  	s0 =	stileid.u32;
	[bflag:$0x2] =	sbarrier.arrive $0xFFFF  }
0xe3: {  	p0 =	sne.s32 s0, $0x0;
	s0 =	rddreg [dreg:$0x1]  }
0xe4: {  	s0 =	sadd.s32 @!p0 $0x100000, s0  }
0xe5: {  	[sflag:s0] =	ssyncadd.tile.s32 @!p0 $0x1;
	_ =	shalt  }
.Lfunc_end2:
_tile_overlayer_lowered:
.L_overlay_start_2:
0xe6: {  	(tag) =	ssettag $0x2  }
0xe7: {  	s0 =	rddreg [dreg:$0x0];
	s2 =	stileid.u32  }
0xe8: {  	s1 =	rddreg [dreg:$0x1];
	p0 =	sne.s32 s2, $0x0  }
0xe9: {  	s3 =	rddreg [dreg:$0x2];
	[bflag:$0x3] =	sbarrier.arrive $0xFFFF;
	s2 =	simm.s32 @!p0 $0x1C03  }
0xea: {  	[timem:s3], [sflag:s2] =	dma.local @!p0 [hbm:s0], s1  }
0xeb: {  	s0 =	simm.s32 @!p0 $0x3  }
0xec: {  	_ =	swait.ge @!p0 [sflag:s0], s1  }
0xed: {  	s1 =	ssub.s32 @!p0 $0x0, s1;
	[sflag:s0] =	ssyncset.done @!p0 $0x0  }
0xee: {  	[sflag:s0] =	ssyncadd.s32 @!p0 s1  }
0xef: {  	[bflag:$0x3] =	sbarrier.arrive $0xFFFF  }
0xf0: {  	_ =	shalt  }

// kernel: kernel.7.cloned.1.call-start
scs
__scs_entry_jumppad:
0x0: {  	(pc) =	sbr.rel $0x88, $3  }
0x1: {  	(tag) =	ssettag $0x0;
	lr =	simm.s32 $0x1  }
0x2: {  	[smem:$0x3F9C] =	sst lr;
	_ =	strace $0xD0000000  }
0x3: {  	_ = 	snop  }
0x4: {  	_ = 	snop  }
0x5: {  	_ = 	snop  }
0x6: {  	_ = 	snop  }
0x7: {  	_ = 	snop  }
__scs_overlays_trampoline_lowered:
0x8: {  	[smem:$0x3FAB] =	sst s0  }
0x9: {  	[smem:$0x3FAC] =	sst s1  }
0xa: {  	[smem:$0x3FAD] =	sst s2  }
0xb: {  	[smem:$0x3FAE] =	sst s3  }
0xc: {  	[smem:$0x3FAF] =	sst s4  }
0xd: {  	[smem:$0x3FB0] =	sst s5  }
0xe: {  	[smem:$0x3FB1] =	sst s6  }
0xf: {  	[smem:$0x3FB2] =	sst s7  }
0x10: {  	[smem:$0x3FB3] =	sst s8  }
0x11: {  	[smem:$0x3FB4] =	sst s9;
	s0 =	simm.s32 @!p0 $0x0  }
0x12: {  	s1 =	sld [smem:$0x3F9A];
	s0 =	simm.s32 @p0 $0x1  }
0x13: {  	[smem:$0x3FB5] =	sst s0;
	s0 =	simm.s32 @!p1 $0x0  }
0x14: {  	s2 =	sld [smem:$0x3F99];
	s0 =	simm.s32 @p1 $0x1  }
0x15: {  	[smem:$0x3FB6] =	sst s0;
	s0 =	simm.s32 @!p2 $0x0  }
0x16: {  	s3 =	sld [smem:$0x3FDB];
	s0 =	simm.s32 @p2 $0x1  }
0x17: {  	s4 =	simm.s32 $0x1BF5;
	[smem:$0x3FB8] =	sst s0  }
0x18: {  	s0 =	sld [smem:$0x3F9B];
	_ =	swait.ge [sflag:s4], $0x0  }
0x19: {  	s7 =	sld [smem:$0x3F9C]  }
0x1a: {  	s8 =	sadd.s32 $0xFFFFE003, lr  }
0x1b: {  	s9 =	sadd.s32 $0xFFFFFEF7, lr;
	s5 =	simm.s32 $0xFFFFFFFF;
	p2 =	slt.u32 s8, $0xFFFFF086  }
0x1c: {  	p1 =	slt.u32 s9, $0xF7A;
	s5 =	simm.s32 @!p2 $0x0  }
0x1d: {  	s5 =	simm.s32 @p1 $0x1;
	p0 =	seq.s32 s7, s2  }
0x1e: {  	s7 =	smul.u32 @!p0 $0xF7A, s2;
	p2 =	seq.s32 @!p0 s5, $0x0  }
0x1f: {  	s9 =	smul.u32 $0xF7A, s1;
	s8 =	simm.s32 @!p0 $0x1BF5;
	p2 =	por !p2, p0  }
0x20: {  	[sflag:s8] =	ssyncset.s32 @!p0 $0xFFFFF086;
	s6 =	sadd.s32 @!p0 s3, s7;
	s7 =	simm.s32 @!p0 $0x108  }
0x21: {  	s3 =	sadd.s32 s3, s9;
	s6 =	sadd.s32 @!p0 $0x88, s6;
	s7 =	simm.s32 @p2 $0x1082  }
0x22: {  	[simem:s7], [sflag:s8] =	dma.local @!p0 [hbm:s6], $0xF7A  }
0x23: {  	s9 =	sor.u32 $0xD0000000, s2;
	s6 =	simm.s32 $0x108;
	_ =	swait.ge @!p0 [sflag:s8], $0x0  }
0x24: {  	s3 =	sadd.s32 $0x88, s3;
	s6 =	simm.s32 @!p1 $0x1082;
	[sflag:s4] =	ssyncset.s32 $0xFFFFF086  }
0x25: {  	[simem:s6], [sflag:s4] =	dma.local [hbm:s3], $0xF7A  }
0x26: {  	[smem:$0x3F9C] =	sst s1;
	(tag) =	ssettag s2;
	_ =	strace s9  }
0x27: {  	s1 =	sld [smem:$0x3FAC]  }
0x28: {  	s2 =	sld [smem:$0x3FAD]  }
0x29: {  	s4 =	sld [smem:$0x3FAF]  }
0x2a: {  	p0 =	seq.s32 s5, $0x0;
	s5 =	sld [smem:$0x3FB0]  }
0x2b: {  	s6 =	sld [smem:$0x3FB1]  }
0x2c: {  	s7 =	sld [smem:$0x3FB2]  }
0x2d: {  	s3 =	simm.s32 $0x108;
	s8 =	sld [smem:$0x3FB3]  }
0x2e: {  	s3 =	simm.s32 @!p0 $0x1082;
	s9 =	sld [smem:$0x3FB4]  }
0x2f: {  	lr =	sadd.s32 s0, s3;
	s0 =	sld [smem:$0x3FAB]  }
0x30: {  	s3 =	sld [smem:$0x3FAE]  }
0x31: {  	[smem:$0x3FB7] =	sst s10  }
0x32: {  	s10 =	sld [smem:$0x3FB5];
	_ =	sdelay $0x3  }
0x33: {  	p0 =	seq.s32 s10, $0x1;
	s10 =	sld [smem:$0x3FB7];
	_ =	sdelay $0x3  }
0x34: {  	[smem:$0x3FB7] =	sst s10  }
0x35: {  	s10 =	sld [smem:$0x3FB6];
	_ =	sdelay $0x3  }
0x36: {  	p1 =	seq.s32 s10, $0x1;
	s10 =	sld [smem:$0x3FB7];
	_ =	sdelay $0x3  }
0x37: {  	[smem:$0x3FB7] =	sst s10  }
0x38: {  	s10 =	sld [smem:$0x3FB8]  }
0x39: {  	_ = 	snop;
	(pc) =	sbr.ind lr, $3  }
0x3a: {  	_ = 	snop  }
0x3b: {  	_ = 	snop  }
0x3c: {  	p2 =	seq.s32 s10, $0x1;
	s10 =	sld [smem:$0x3FB7]  }
0x3d: {  	_ =	shalt  }
0x3e: {  	_ =	shalt  }
0x3f: {  	_ =	shalt  }
0x40: {  	_ =	shalt  }
0x41: {  	_ =	shalt  }
0x42: {  	_ =	shalt  }
0x43: {  	_ =	shalt  }
0x44: {  	_ =	shalt  }
0x45: {  	_ =	shalt  }
0x46: {  	_ =	shalt  }
0x47: {  	_ =	shalt  }
0x48: {  	_ =	shalt  }
0x49: {  	_ =	shalt  }
0x4a: {  	_ =	shalt  }
0x4b: {  	_ =	shalt  }
0x4c: {  	_ =	shalt  }
0x4d: {  	_ =	shalt  }
0x4e: {  	_ =	shalt  }
0x4f: {  	_ =	shalt  }
0x50: {  	_ =	shalt  }
0x51: {  	_ =	shalt  }
0x52: {  	_ =	shalt  }
0x53: {  	_ =	shalt  }
0x54: {  	_ =	shalt  }
0x55: {  	_ =	shalt  }
0x56: {  	_ =	shalt  }
0x57: {  	_ =	shalt  }
0x58: {  	_ =	shalt  }
0x59: {  	_ =	shalt  }
0x5a: {  	_ =	shalt  }
0x5b: {  	_ =	shalt  }
0x5c: {  	_ =	shalt  }
0x5d: {  	_ =	shalt  }
0x5e: {  	_ =	shalt  }
0x5f: {  	_ =	shalt  }
0x60: {  	_ =	shalt  }
0x61: {  	_ =	shalt  }
0x62: {  	_ =	shalt  }
0x63: {  	_ =	shalt  }
0x64: {  	_ =	shalt  }
0x65: {  	_ =	shalt  }
0x66: {  	_ =	shalt  }
0x67: {  	_ =	shalt  }
0x68: {  	_ =	shalt  }
0x69: {  	_ =	shalt  }
0x6a: {  	_ =	shalt  }
0x6b: {  	_ =	shalt  }
0x6c: {  	_ =	shalt  }
0x6d: {  	_ =	shalt  }
0x6e: {  	_ =	shalt  }
0x6f: {  	_ =	shalt  }
0x70: {  	_ =	shalt  }
0x71: {  	_ =	shalt  }
0x72: {  	_ =	shalt  }
0x73: {  	_ =	shalt  }
0x74: {  	_ =	shalt  }
0x75: {  	_ =	shalt  }
0x76: {  	_ =	shalt  }
0x77: {  	_ =	shalt  }
0x78: {  	_ =	shalt  }
0x79: {  	_ =	shalt  }
0x7a: {  	_ =	shalt  }
0x7b: {  	_ =	shalt  }
0x7c: {  	_ =	shalt  }
0x7d: {  	_ =	shalt  }
0x7e: {  	_ =	shalt  }
0x7f: {  	_ =	shalt  }
0x80: {  	_ =	shalt  }
0x81: {  	_ =	shalt  }
0x82: {  	_ =	shalt  }
0x83: {  	_ =	shalt  }
0x84: {  	_ =	shalt  }
0x85: {  	_ =	shalt  }
0x86: {  	_ =	shalt  }
0x87: {  	_ =	shalt  }
.Lfunc_end0:
.L_simem_size_0:
called_computation_lowered:
.L_overlay_start_0:
0x88: {  	s2 =	sld [smem:$0x3FD9]  }
0x89: {  	s3 =	sld [smem:$0x3FFE];
	_ =	sdelay $0x1  }
0x8a: {  	s1 =	srdreg.scid  }
0x8b: {  	s0 =	sand.u32 $0x1, s1  }
0x8c: {  	s17 =	sshll.u32 s0, $0xA;
	s2 =	sadd.s32 s3, s2  }
0x8d: {  	s2 =	sadd.s32 s2, s17  }
0x8e: {  	[smem:$0x3FC3] =	sst s2  }
0x8f: {  	_ = 	snop  }
0x90: {  	s2 =	sld [smem:$0x3FC9];
	(tm) =	ssettm $0x1  }
0x91: {  	s18 =	sld [smem:$0x3FFB];
	_ =	sdelay $0x3  }
0x92: {  	_ =	strace s18  }
0x93: {  	s3 =	sld [smem:$0x3FFC];
	_ =	sdelay $0x3  }
0x94: {  	_ =	strace s3  }
0x95: {  	s3 =	sld [smem:$0x3FFD];
	_ =	sdelay $0x3  }
0x96: {  	_ =	strace s3  }
0x97: {  	_ =	strace $0x8FFFFFFF  }
0x98: {  	s19 =	sld [smem:$0x3FDB];
	_ =	sdelay $0x1  }
0x99: {  	s4 =	simm.s32 $_scs_section_size  }
0x9a: {  	s5 =	simm.s32 $_size__tile_overlayer_lowered;
	s6 =	simm.s32 $_tile_overlayer_lowered  }
0x9b: {  	s22 =	simm.s32 $0x1BFF;
	s21 =	sshll.u32 s6, $0x1;
	s3 =	sadd.s32 s4, s19  }
0x9c: {  	s7 =	simm.s32 $0x0;
	s20 =	sshll.u32 s5, $0x1;
	s5 =	sadd.s32 s21, s3  }
0x9d: {  	[timem:s7], [sflag:s22] =	dma.local [hbm:s5], s20  }
0x9e: {  	_ =	swait.ge [sflag:s22], s20  }
0x9f: {  	s4 =	ssub.s32 $0x0, s20;
	[sflag:s22] =	ssyncset.done $0x0  }
0xa0: {  	[sflag:s22] =	ssyncadd.s32 s4;
	_ =	sdelay $0x1  }
0xa1: {  	s23 =	simm.s32 $0x1B8B  }
0xa2: {  	_ =	swait.ge [sflag:s23], $0x1  }
0xa3: {  	[sflag:s23] =	ssyncset.done $0x0  }
0xa4: {  	s25 =	simm.s32 $0x1B8E;
	s24 =	sld [smem:$0x3FFE];
	[sflag:s23] =	ssyncadd.s32 $0xFFFFFFFF  }
0xa5: {  	s26 =	simm.s32 $execute0_lowered;
	[smem:$0x3FD2] =	sst s25  }
0xa6: {  	s5 =	sshll.u32 s26, $0x1;
	_ =	strace $0x80000046;
	[dreg:$0x1] =	wrdreg $0xFFFFFFFF  }
0xa7: {  	s28 =	simm.s32 $_size_execute0_lowered;
	s3 =	sadd.s32 s3, s5;
	[dreg:$0x0] =	wrdreg $0x0  }
0xa8: {  	s5 =	sshll.u32 s28, $0x1;
	[dreg:$0x2] =	wrdreg s3  }
0xa9: {  	[dreg:$0x3] =	wrdreg s5  }
0xaa: {  	[dreg:$0x4] =	wrdreg $0xC0  }
0xab: {  	_ =	task [dreg:s7], $0x5FFFF  }
0xac: {  	[dreg:$0x1] =	wrdreg $0xFFFFFFFF  }
0xad: {  	[dreg:$0x0] =	wrdreg $0x60  }
0xae: {  	[dreg:$0x2] =	wrdreg s2  }
0xaf: {  	[dreg:$0x3] =	wrdreg s24  }
0xb0: {  	[dreg:$0x4] =	wrdreg $0x9  }
0xb1: {  	_ =	task.clear_ibuf [dreg:s7], $0x5FFFF;
	_ =	strace $0x90000046  }
0xb2: {  	s29 =	simm.s32 $0x9;
	_ =	strace $0x80000048  }
0xb3: {  	_ =	swait.ge [sflag:s29], $0x1  }
0xb4: {  	[sflag:s29] =	ssyncadd.s32 $0xFFFFFFFF  }
0xb5: {  	_ =	strace $0x90000048  }
0xb6: {  	_ =	sfence  }
0xb7: {  	s30 =	sld [smem:$0x0];
	_ =	sdelay $0x2  }
0xb8: {  	s31 =	sshll.u32 s1, $0xD;
	s1 =	sshrl.u32 s1, $0x2  }
0xb9: {  	s3 =	sand.u32 $0x4000, s31;
	s1 =	sadd.s32 s1, s30  }
0xba: {  	s0 =	sor.u32 s3, s0;
	s1 =	sshll.u32 s1, $0x11  }
0xbb: {  	s0 =	sor.u32 s1, s0  }
0xbc: {  	s0 =	sadd.s32 $0x8F2B, s0  }
0xbd: {  	[sflag:s0] =	ssyncadd.remote.s32 $0x1  }
0xbe: {  	_ =	sfence.sel $0xFFFF  }
0xbf: {  	[dreg:$0x0] =	wrdreg $0xFFFFFFFF;
	(pc) =	sbr.abs _section_cstart, $3  }
0xc0: {  	[dreg:$0x1] =	wrdreg $0xFFFFFFFF  }
0xc1: {  	_ =	task.clear_ibuf [dreg:s7], $0x2FFFF;
	_ =	strace $0x9FFFFFFF  }
0xc2: {  	(tm) =	ssettm $0x7FFFFFFF  }
0xc3: {  	_ =	shalt  }
tec
execute0_lowered:
.L_overlay_start_1:
0x0: {  	(tag) =	ssettag $0x1  }
0x1: {  	s0 =	srdreg.scid;
	s2 =	rddreg [dreg:$0x0]  }
0x2: {  	s1 =	stileid.u32;
	s4 =	rddreg [dreg:$0x1]  }
0x3: {  	s8 =	simm.s32 $0x3;
	s9 =	simm.s32 $0x1;
	s19 =	simm.s32 $0x2  }
0x4: {  	s21 =	simm.s32 $0x880;
	s28 =	simm.s32 $0x3080;
	s29 =	simm.s32 $0x3880  }
0x5: {  	s30 =	simm.s32 $0x4080;
	s31 =	simm.s32 $0x4880;
	s10 =	simm.s32 $0x6080  }
0x6: {  	s11 =	simm.s32 $0x6880;
	s12 =	simm.s32 $0x7080;
	s13 =	simm.s32 $0x7880  }
0x7: {  	s18 =	simm.s32 $0x8080;
	s14 =	simm.s32 $0x8880;
	s15 =	simm.s32 $0x9080  }
0x8: {  	s16 =	simm.s32 $0x9880;
	s17 =	simm.s32 $0xA080;
	s0 =	sand.u32 $0x1, s0  }
0x9: {  	s1 =	sshll.u32 s1, $0x8;
	s6 =	sadd.s32 $0x300, s2;
	s3 =	sshll.u32 s0, $0x7  }
0xa: {  	s0 =	ssub.s32 $0x2, s0;
	s1 =	sor.u32 s3, s1;
	s3 =	simm.s32 $0x0  }
0xb: {  	s24 =	sshrl.u32 s0, $0x1;
	s5 =	sshrl.u32 s1, $0x3;
	[smem:$0x7FF] =	sst s3  }
0xc: {  	s1 =	sshll.u32 s1, $0x7;
	s0 =	ssub.s32 s0, s24;
	s5 =	sadd.s32 s5, s4  }
0xd: {  	s24 =	simm.s32 $0x2080;
	s1 =	sadd.s32 s1, s4;
	s22 =	sadd.s32 $0x600, s5  }
0xe: {  	_ =	strace $0x80000047;
	s23 =	sadd.s32 $0x800, s1;
	[dreg:$0x3] =	wrdreg s22  }
0xf: {  	s4 =	sadd.s32 $0x100, s2;
	s25 =	sadd.s32 $0x1800, s1;
	[dreg:$0x4] =	wrdreg s23  }
0x10: {  	s7 =	smax.u32 s0, $0x1;
	s26 =	sadd.s32 $0x2800, s1;
	[dreg:$0x5] =	wrdreg s25  }
0x11: {  	v2 =	vlaneseq.u32;
	s1 =	sadd.s32 $0x3800, s1;
	s5 =	sadd.s32 $0x200, s2;
	[dreg:$0x6] =	wrdreg s26  }
0x12: {  	vm0 =	vmmov $0xffff;
	v1 =	vshrl.u32 v2, $0x3;
	[dreg:$0x7] =	wrdreg s1;
	s25 =	simm.s32 $0x80;
	s22 =	simm.s32 $0x1080  }
0x13: {  	v0 =	vand.u32 $0x7, v2;
	v2 =	vor.u32 $0x8, v2;
	v1 =	vmul.u32 $0x8, v1;
	s23 =	simm.s32 $0x1880;
	s26 =	simm.s32 $0x2880;
	s1 =	simm.s32 $0x5080  }
.LBB2_1:
0x14: {  	s20 =	rddreg [dreg:$0x3]  }
0x15: {  	[tilespmem:s3], [sflag:$0x3] =	stream.linear.gather [hbm4b:s20+s3], $0x80, $0x38;
	[tilespmem:$0x10080] =	vst v63  }
0x16: {  	_ =	swait.ge [sflag:s8], $0x80  }
0x17: {  	[sflag:s8] =	ssyncset.done $0x0  }
0x18: {  	[sflag:s8] =	ssyncadd.s32 $0xFFFFFF80  }
0x19: {  	v3 =	vld [tilespmem:$0x0];
	_ =	sdelay $0x4  }
0x1a: {  	v4 =	vshll.u32 v3, $0x3  }
0x1b: {  	v3 =	vand.u32 $0x7, v3;
	v4 =	vand.u32 $0xFFFFFFC0, v4  }
0x1c: {  	v3 =	vor.u32 v3, v4  }
0x1d: {  	v4 =	vperm.xlane v3, v0;
	_ =	sdelay $0x1  }
0x1e: {  	v4 =	vadd.s32 v1, v4;
	_ =	sdelay $0x4  }
0x1f: {  	[tilespmem:s25], [sflag:$0x1] =	stream.indirect_vreg.gather [hbm4b:s2+s3], $0x80, v4, vm0, $0xb8;
	[tilespmem:$0x10080] =	vst v63  }
0x20: {  	v3 =	vperm.xlane v3, v2  }
0x21: {  	[tilespmem:s21], [sflag:$0x1] =	stream.indirect_vreg.gather [hbm4b:s4+s3], $0x80, v4, vm0, $0xb8;
	[tilespmem:$0x10080] =	vst v63  }
0x22: {  	v3 =	vadd.s32 v1, v3  }
0x23: {  	[tilespmem:s22], [sflag:$0x1] =	stream.indirect_vreg.gather [hbm4b:s5+s3], $0x80, v4, vm0, $0xb8;
	[tilespmem:$0x10080] =	vst v63  }
0x24: {  	_ = 	snop  }
0x25: {  	[tilespmem:s23], [sflag:$0x1] =	stream.indirect_vreg.gather [hbm4b:s6+s3], $0x80, v4, vm0, $0xb8;
	[tilespmem:$0x10080] =	vst v63  }
0x26: {  	_ = 	snop  }
0x27: {  	[tilespmem:s24], [sflag:$0x1] =	stream.indirect_vreg.gather [hbm4b:s2+s3], $0x80, v3, vm0, $0xb8;
	[tilespmem:$0x10080] =	vst v63  }
0x28: {  	_ = 	snop  }
0x29: {  	[tilespmem:s26], [sflag:$0x1] =	stream.indirect_vreg.gather [hbm4b:s4+s3], $0x80, v3, vm0, $0xb8;
	[tilespmem:$0x10080] =	vst v63  }
0x2a: {  	_ = 	snop  }
0x2b: {  	[tilespmem:s28], [sflag:$0x1] =	stream.indirect_vreg.gather [hbm4b:s5+s3], $0x80, v3, vm0, $0xb8;
	[tilespmem:$0x10080] =	vst v63  }
0x2c: {  	_ = 	snop  }
0x2d: {  	[tilespmem:s29], [sflag:$0x1] =	stream.indirect_vreg.gather [hbm4b:s6+s3], $0x80, v3, vm0, $0xb8;
	[tilespmem:$0x10080] =	vst v63  }
0x2e: {  	v3 =	vld [tilespmem:$0x10];
	_ =	sdelay $0x4  }
0x2f: {  	v57 =	vshll.u32 v3, $0x3  }
0x30: {  	v3 =	vand.u32 $0x7, v3;
	v4 =	vand.u32 $0xFFFFFFC0, v57  }
0x31: {  	v3 =	vor.u32 v3, v4  }
0x32: {  	v4 =	vperm.xlane v3, v0;
	_ =	sdelay $0x1  }
0x33: {  	v4 =	vadd.s32 v1, v4;
	_ =	sdelay $0x4  }
0x34: {  	[tilespmem:s30], [sflag:$0x1] =	stream.indirect_vreg.gather [hbm4b:s2+s3], $0x80, v4, vm0, $0xb8;
	[tilespmem:$0x10080] =	vst v63  }
0x35: {  	v3 =	vperm.xlane v3, v2  }
0x36: {  	[tilespmem:s31], [sflag:$0x1] =	stream.indirect_vreg.gather [hbm4b:s4+s3], $0x80, v4, vm0, $0xb8;
	[tilespmem:$0x10080] =	vst v63  }
0x37: {  	v3 =	vadd.s32 v1, v3  }
0x38: {  	[tilespmem:s1], [sflag:$0x1] =	stream.indirect_vreg.gather [hbm4b:s5+s3], $0x80, v4, vm0, $0xb8;
	[tilespmem:$0x10080] =	vst v63  }
0x39: {  	s0 =	simm.s32 $0x5880  }
0x3a: {  	[tilespmem:s0], [sflag:$0x1] =	stream.indirect_vreg.gather [hbm4b:s6+s3], $0x80, v4, vm0, $0xb8;
	[tilespmem:$0x10080] =	vst v63  }
0x3b: {  	_ = 	snop  }
0x3c: {  	[tilespmem:s10], [sflag:$0x1] =	stream.indirect_vreg.gather [hbm4b:s2+s3], $0x80, v3, vm0, $0xb8;
	[tilespmem:$0x10080] =	vst v63  }
0x3d: {  	_ = 	snop  }
0x3e: {  	[tilespmem:s11], [sflag:$0x1] =	stream.indirect_vreg.gather [hbm4b:s4+s3], $0x80, v3, vm0, $0xb8;
	[tilespmem:$0x10080] =	vst v63  }
0x3f: {  	_ = 	snop  }
0x40: {  	[tilespmem:s12], [sflag:$0x1] =	stream.indirect_vreg.gather [hbm4b:s5+s3], $0x80, v3, vm0, $0xb8;
	[tilespmem:$0x10080] =	vst v63  }
0x41: {  	_ = 	snop  }
0x42: {  	[tilespmem:s13], [sflag:$0x1] =	stream.indirect_vreg.gather [hbm4b:s6+s3], $0x80, v3, vm0, $0xb8;
	[tilespmem:$0x10080] =	vst v63  }
0x43: {  	v3 =	vld [tilespmem:$0x20];
	_ =	sdelay $0x4  }
0x44: {  	v58 =	vshll.u32 v3, $0x3  }
0x45: {  	v3 =	vand.u32 $0x7, v3;
	v4 =	vand.u32 $0xFFFFFFC0, v58  }
0x46: {  	v3 =	vor.u32 v3, v4  }
0x47: {  	v4 =	vperm.xlane v3, v0;
	_ =	sdelay $0x1  }
0x48: {  	v4 =	vadd.s32 v1, v4;
	_ =	sdelay $0x4  }
0x49: {  	[tilespmem:s18], [sflag:$0x2] =	stream.indirect_vreg.gather [hbm4b:s2+s3], $0x80, v4, vm0, $0xb8;
	[tilespmem:$0x10080] =	vst v63  }
0x4a: {  	v3 =	vperm.xlane v3, v2  }
0x4b: {  	[tilespmem:s14], [sflag:$0x2] =	stream.indirect_vreg.gather [hbm4b:s4+s3], $0x80, v4, vm0, $0xb8;
	[tilespmem:$0x10080] =	vst v63  }
0x4c: {  	v3 =	vadd.s32 v1, v3  }
0x4d: {  	[tilespmem:s15], [sflag:$0x2] =	stream.indirect_vreg.gather [hbm4b:s5+s3], $0x80, v4, vm0, $0xb8;
	[tilespmem:$0x10080] =	vst v63  }
0x4e: {  	_ = 	snop  }
0x4f: {  	[tilespmem:s16], [sflag:$0x2] =	stream.indirect_vreg.gather [hbm4b:s6+s3], $0x80, v4, vm0, $0xb8;
	[tilespmem:$0x10080] =	vst v63  }
0x50: {  	_ = 	snop  }
0x51: {  	[tilespmem:s17], [sflag:$0x2] =	stream.indirect_vreg.gather [hbm4b:s2+s3], $0x80, v3, vm0, $0xb8;
	[tilespmem:$0x10080] =	vst v63  }
0x52: {  	s20 =	simm.s32 $0xA880  }
0x53: {  	[tilespmem:s20], [sflag:$0x2] =	stream.indirect_vreg.gather [hbm4b:s4+s3], $0x80, v3, vm0, $0xb8;
	[tilespmem:$0x10080] =	vst v63  }
0x54: {  	s20 =	simm.s32 $0xB080  }
0x55: {  	[tilespmem:s20], [sflag:$0x2] =	stream.indirect_vreg.gather [hbm4b:s5+s3], $0x80, v3, vm0, $0xb8;
	[tilespmem:$0x10080] =	vst v63  }
0x56: {  	s20 =	simm.s32 $0xB880  }
0x57: {  	[tilespmem:s20], [sflag:$0x2] =	stream.indirect_vreg.gather [hbm4b:s6+s3], $0x80, v3, vm0, $0xb8;
	[tilespmem:$0x10080] =	vst v63  }
0x58: {  	v3 =	vld [tilespmem:$0x30];
	_ =	sdelay $0x4  }
0x59: {  	v59 =	vshll.u32 v3, $0x3  }
0x5a: {  	v3 =	vand.u32 $0x7, v3;
	v4 =	vand.u32 $0xFFFFFFC0, v59  }
0x5b: {  	v3 =	vor.u32 v3, v4  }
0x5c: {  	v4 =	vperm.xlane v3, v0;
	_ =	sdelay $0x1  }
0x5d: {  	v4 =	vadd.s32 v1, v4;
	_ =	sdelay $0x3  }
0x5e: {  	s20 =	simm.s32 $0xC080  }
0x5f: {  	[tilespmem:s20], [sflag:$0x2] =	stream.indirect_vreg.gather [hbm4b:s2+s3], $0x80, v4, vm0, $0xb8;
	[tilespmem:$0x10080] =	vst v63  }
0x60: {  	v3 =	vperm.xlane v3, v2;
	s20 =	simm.s32 $0xC880  }
0x61: {  	[tilespmem:s20], [sflag:$0x2] =	stream.indirect_vreg.gather [hbm4b:s4+s3], $0x80, v4, vm0, $0xb8;
	[tilespmem:$0x10080] =	vst v63  }
0x62: {  	v3 =	vadd.s32 v1, v3;
	s20 =	simm.s32 $0xD080  }
0x63: {  	[tilespmem:s20], [sflag:$0x2] =	stream.indirect_vreg.gather [hbm4b:s5+s3], $0x80, v4, vm0, $0xb8;
	[tilespmem:$0x10080] =	vst v63  }
0x64: {  	s20 =	simm.s32 $0xD880  }
0x65: {  	[tilespmem:s20], [sflag:$0x2] =	stream.indirect_vreg.gather [hbm4b:s6+s3], $0x80, v4, vm0, $0xb8;
	[tilespmem:$0x10080] =	vst v63  }
0x66: {  	s20 =	simm.s32 $0xE080  }
0x67: {  	[tilespmem:s20], [sflag:$0x2] =	stream.indirect_vreg.gather [hbm4b:s2+s3], $0x80, v3, vm0, $0xb8;
	[tilespmem:$0x10080] =	vst v63  }
0x68: {  	s20 =	simm.s32 $0xE880  }
0x69: {  	[tilespmem:s20], [sflag:$0x2] =	stream.indirect_vreg.gather [hbm4b:s4+s3], $0x80, v3, vm0, $0xb8;
	[tilespmem:$0x10080] =	vst v63  }
0x6a: {  	s20 =	simm.s32 $0xF080  }
0x6b: {  	[tilespmem:s20], [sflag:$0x2] =	stream.indirect_vreg.gather [hbm4b:s5+s3], $0x80, v3, vm0, $0xb8;
	[tilespmem:$0x10080] =	vst v63  }
0x6c: {  	s20 =	simm.s32 $0xF880  }
0x6d: {  	[tilespmem:s20], [sflag:$0x2] =	stream.indirect_vreg.gather [hbm4b:s6+s3], $0x80, v3, vm0, $0xb8;
	[tilespmem:$0x10080] =	vst v63  }
0x6e: {  	_ =	swait.ge [sflag:s9], $0x8000  }
0x6f: {  	[sflag:s9] =	ssyncset.done $0x0  }
0x70: {  	s20 =	rddreg [dreg:$0x4];
	[sflag:s9] =	ssyncadd.s32 $0xFFFF8000  }
0x71: {  	[hbm4b:s20+s3] =	stream.linear.scatter [tilespmem:s25], [sflag:$0x3], $0x8000, $0x38;
	[tilespmem:$0x10080] =	vst v63  }
0x72: {  	_ =	swait.ge [sflag:s8], $0x8000  }
0x73: {  	[sflag:s8] =	ssyncset.done $0x0  }
0x74: {  	[sflag:s8] =	ssyncadd.s32 $0xFFFF8000  }
0x75: {  	v3 =	vld [tilespmem:$0x40];
	_ =	sdelay $0x4  }
0x76: {  	v60 =	vshll.u32 v3, $0x3  }
0x77: {  	v3 =	vand.u32 $0x7, v3;
	v4 =	vand.u32 $0xFFFFFFC0, v60  }
0x78: {  	v3 =	vor.u32 v3, v4  }
0x79: {  	v4 =	vperm.xlane v3, v0;
	_ =	sdelay $0x1  }
0x7a: {  	v4 =	vadd.s32 v1, v4;
	_ =	sdelay $0x4  }
0x7b: {  	[tilespmem:s25], [sflag:$0x1] =	stream.indirect_vreg.gather [hbm4b:s2+s3], $0x80, v4, vm0, $0xb8;
	[tilespmem:$0x10080] =	vst v63  }
0x7c: {  	v3 =	vperm.xlane v3, v2  }
0x7d: {  	[tilespmem:s21], [sflag:$0x1] =	stream.indirect_vreg.gather [hbm4b:s4+s3], $0x80, v4, vm0, $0xb8;
	[tilespmem:$0x10080] =	vst v63  }
0x7e: {  	v3 =	vadd.s32 v1, v3  }
0x7f: {  	[tilespmem:s22], [sflag:$0x1] =	stream.indirect_vreg.gather [hbm4b:s5+s3], $0x80, v4, vm0, $0xb8;
	[tilespmem:$0x10080] =	vst v63  }
0x80: {  	_ = 	snop  }
0x81: {  	[tilespmem:s23], [sflag:$0x1] =	stream.indirect_vreg.gather [hbm4b:s6+s3], $0x80, v4, vm0, $0xb8;
	[tilespmem:$0x10080] =	vst v63  }
0x82: {  	_ = 	snop  }
0x83: {  	[tilespmem:s24], [sflag:$0x1] =	stream.indirect_vreg.gather [hbm4b:s2+s3], $0x80, v3, vm0, $0xb8;
	[tilespmem:$0x10080] =	vst v63  }
0x84: {  	_ = 	snop  }
0x85: {  	[tilespmem:s26], [sflag:$0x1] =	stream.indirect_vreg.gather [hbm4b:s4+s3], $0x80, v3, vm0, $0xb8;
	[tilespmem:$0x10080] =	vst v63  }
0x86: {  	_ = 	snop  }
0x87: {  	[tilespmem:s28], [sflag:$0x1] =	stream.indirect_vreg.gather [hbm4b:s5+s3], $0x80, v3, vm0, $0xb8;
	[tilespmem:$0x10080] =	vst v63  }
0x88: {  	_ = 	snop  }
0x89: {  	[tilespmem:s29], [sflag:$0x1] =	stream.indirect_vreg.gather [hbm4b:s6+s3], $0x80, v3, vm0, $0xb8;
	[tilespmem:$0x10080] =	vst v63  }
0x8a: {  	v3 =	vld [tilespmem:$0x50];
	_ =	sdelay $0x4  }
0x8b: {  	v61 =	vshll.u32 v3, $0x3  }
0x8c: {  	v3 =	vand.u32 $0x7, v3;
	v4 =	vand.u32 $0xFFFFFFC0, v61  }
0x8d: {  	v3 =	vor.u32 v3, v4  }
0x8e: {  	v4 =	vperm.xlane v3, v0;
	_ =	sdelay $0x1  }
0x8f: {  	v4 =	vadd.s32 v1, v4;
	_ =	sdelay $0x4  }
0x90: {  	[tilespmem:s30], [sflag:$0x1] =	stream.indirect_vreg.gather [hbm4b:s2+s3], $0x80, v4, vm0, $0xb8;
	[tilespmem:$0x10080] =	vst v63  }
0x91: {  	v3 =	vperm.xlane v3, v2  }
0x92: {  	[tilespmem:s31], [sflag:$0x1] =	stream.indirect_vreg.gather [hbm4b:s4+s3], $0x80, v4, vm0, $0xb8;
	[tilespmem:$0x10080] =	vst v63  }
0x93: {  	v3 =	vadd.s32 v1, v3  }
0x94: {  	[tilespmem:s1], [sflag:$0x1] =	stream.indirect_vreg.gather [hbm4b:s5+s3], $0x80, v4, vm0, $0xb8;
	[tilespmem:$0x10080] =	vst v63  }
0x95: {  	_ = 	snop  }
0x96: {  	[tilespmem:s0], [sflag:$0x1] =	stream.indirect_vreg.gather [hbm4b:s6+s3], $0x80, v4, vm0, $0xb8;
	[tilespmem:$0x10080] =	vst v63  }
0x97: {  	_ = 	snop  }
0x98: {  	[tilespmem:s10], [sflag:$0x1] =	stream.indirect_vreg.gather [hbm4b:s2+s3], $0x80, v3, vm0, $0xb8;
	[tilespmem:$0x10080] =	vst v63  }
0x99: {  	_ = 	snop  }
0x9a: {  	[tilespmem:s11], [sflag:$0x1] =	stream.indirect_vreg.gather [hbm4b:s4+s3], $0x80, v3, vm0, $0xb8;
	[tilespmem:$0x10080] =	vst v63  }
0x9b: {  	_ = 	snop  }
0x9c: {  	[tilespmem:s12], [sflag:$0x1] =	stream.indirect_vreg.gather [hbm4b:s5+s3], $0x80, v3, vm0, $0xb8;
	[tilespmem:$0x10080] =	vst v63  }
0x9d: {  	_ = 	snop  }
0x9e: {  	[tilespmem:s13], [sflag:$0x1] =	stream.indirect_vreg.gather [hbm4b:s6+s3], $0x80, v3, vm0, $0xb8;
	[tilespmem:$0x10080] =	vst v63  }
0x9f: {  	_ =	swait.ge [sflag:s19], $0x8000  }
0xa0: {  	[sflag:s19] =	ssyncset.done $0x0  }
0xa1: {  	s0 =	rddreg [dreg:$0x5];
	[sflag:s19] =	ssyncadd.s32 $0xFFFF8000  }
0xa2: {  	[hbm4b:s0+s3] =	stream.linear.scatter [tilespmem:s18], [sflag:$0x3], $0x8000, $0x38;
	[tilespmem:$0x10080] =	vst v63  }
0xa3: {  	_ =	swait.ge [sflag:s8], $0x8000  }
0xa4: {  	[sflag:s8] =	ssyncset.done $0x0  }
0xa5: {  	[sflag:s8] =	ssyncadd.s32 $0xFFFF8000  }
0xa6: {  	v3 =	vld [tilespmem:$0x60];
	_ =	sdelay $0x4  }
0xa7: {  	v62 =	vshll.u32 v3, $0x3  }
0xa8: {  	v3 =	vand.u32 $0x7, v3;
	v4 =	vand.u32 $0xFFFFFFC0, v62  }
0xa9: {  	v3 =	vor.u32 v3, v4  }
0xaa: {  	v4 =	vperm.xlane v3, v0;
	_ =	sdelay $0x1  }
0xab: {  	v4 =	vadd.s32 v1, v4;
	_ =	sdelay $0x4  }
0xac: {  	[tilespmem:s18], [sflag:$0x2] =	stream.indirect_vreg.gather [hbm4b:s2+s3], $0x80, v4, vm0, $0xb8;
	[tilespmem:$0x10080] =	vst v63  }
0xad: {  	v3 =	vperm.xlane v3, v2  }
0xae: {  	[tilespmem:s14], [sflag:$0x2] =	stream.indirect_vreg.gather [hbm4b:s4+s3], $0x80, v4, vm0, $0xb8;
	[tilespmem:$0x10080] =	vst v63  }
0xaf: {  	v3 =	vadd.s32 v1, v3  }
0xb0: {  	[tilespmem:s15], [sflag:$0x2] =	stream.indirect_vreg.gather [hbm4b:s5+s3], $0x80, v4, vm0, $0xb8;
	[tilespmem:$0x10080] =	vst v63  }
0xb1: {  	_ = 	snop  }
0xb2: {  	[tilespmem:s16], [sflag:$0x2] =	stream.indirect_vreg.gather [hbm4b:s6+s3], $0x80, v4, vm0, $0xb8;
	[tilespmem:$0x10080] =	vst v63  }
0xb3: {  	_ = 	snop  }
0xb4: {  	[tilespmem:s17], [sflag:$0x2] =	stream.indirect_vreg.gather [hbm4b:s2+s3], $0x80, v3, vm0, $0xb8;
	[tilespmem:$0x10080] =	vst v63  }
0xb5: {  	s20 =	simm.s32 $0xA880  }
0xb6: {  	[tilespmem:s20], [sflag:$0x2] =	stream.indirect_vreg.gather [hbm4b:s4+s3], $0x80, v3, vm0, $0xb8;
	[tilespmem:$0x10080] =	vst v63  }
0xb7: {  	s20 =	simm.s32 $0xB080  }
0xb8: {  	[tilespmem:s20], [sflag:$0x2] =	stream.indirect_vreg.gather [hbm4b:s5+s3], $0x80, v3, vm0, $0xb8;
	[tilespmem:$0x10080] =	vst v63  }
0xb9: {  	s20 =	simm.s32 $0xB880  }
0xba: {  	[tilespmem:s20], [sflag:$0x2] =	stream.indirect_vreg.gather [hbm4b:s6+s3], $0x80, v3, vm0, $0xb8;
	[tilespmem:$0x10080] =	vst v63  }
0xbb: {  	v3 =	vld [tilespmem:$0x70];
	_ =	sdelay $0x4  }
0xbc: {  	v63 =	vshll.u32 v3, $0x3  }
0xbd: {  	v3 =	vand.u32 $0x7, v3;
	v4 =	vand.u32 $0xFFFFFFC0, v63  }
0xbe: {  	v3 =	vor.u32 v3, v4  }
0xbf: {  	v4 =	vperm.xlane v3, v0;
	_ =	sdelay $0x1  }
0xc0: {  	v4 =	vadd.s32 v1, v4;
	_ =	sdelay $0x3  }
0xc1: {  	s20 =	simm.s32 $0xC080  }
0xc2: {  	[tilespmem:s20], [sflag:$0x2] =	stream.indirect_vreg.gather [hbm4b:s2+s3], $0x80, v4, vm0, $0xb8;
	[tilespmem:$0x10080] =	vst v63  }
0xc3: {  	v3 =	vperm.xlane v3, v2;
	s20 =	simm.s32 $0xC880  }
0xc4: {  	[tilespmem:s20], [sflag:$0x2] =	stream.indirect_vreg.gather [hbm4b:s4+s3], $0x80, v4, vm0, $0xb8;
	[tilespmem:$0x10080] =	vst v63  }
0xc5: {  	v3 =	vadd.s32 v1, v3;
	s20 =	simm.s32 $0xD080  }
0xc6: {  	[tilespmem:s20], [sflag:$0x2] =	stream.indirect_vreg.gather [hbm4b:s5+s3], $0x80, v4, vm0, $0xb8;
	[tilespmem:$0x10080] =	vst v63  }
0xc7: {  	s20 =	simm.s32 $0xD880  }
0xc8: {  	[tilespmem:s20], [sflag:$0x2] =	stream.indirect_vreg.gather [hbm4b:s6+s3], $0x80, v4, vm0, $0xb8;
	[tilespmem:$0x10080] =	vst v63  }
0xc9: {  	s20 =	simm.s32 $0xE080  }
0xca: {  	[tilespmem:s20], [sflag:$0x2] =	stream.indirect_vreg.gather [hbm4b:s2+s3], $0x80, v3, vm0, $0xb8;
	[tilespmem:$0x10080] =	vst v63  }
0xcb: {  	s20 =	simm.s32 $0xE880  }
0xcc: {  	[tilespmem:s20], [sflag:$0x2] =	stream.indirect_vreg.gather [hbm4b:s4+s3], $0x80, v3, vm0, $0xb8;
	[tilespmem:$0x10080] =	vst v63  }
0xcd: {  	s20 =	simm.s32 $0xF080  }
0xce: {  	[tilespmem:s20], [sflag:$0x2] =	stream.indirect_vreg.gather [hbm4b:s5+s3], $0x80, v3, vm0, $0xb8;
	[tilespmem:$0x10080] =	vst v63  }
0xcf: {  	s20 =	simm.s32 $0xF880  }
0xd0: {  	[tilespmem:s20], [sflag:$0x2] =	stream.indirect_vreg.gather [hbm4b:s6+s3], $0x80, v3, vm0, $0xb8;
	[tilespmem:$0x10080] =	vst v63  }
0xd1: {  	_ =	swait.ge [sflag:s9], $0x8000  }
0xd2: {  	[sflag:s9] =	ssyncset.done $0x0  }
0xd3: {  	s0 =	rddreg [dreg:$0x6];
	[sflag:s9] =	ssyncadd.s32 $0xFFFF8000  }
0xd4: {  	[hbm4b:s0+s3] =	stream.linear.scatter [tilespmem:s25], [sflag:$0x3], $0x8000, $0x38;
	[tilespmem:$0x10080] =	vst v63  }
0xd5: {  	_ =	swait.ge [sflag:s8], $0x8000  }
0xd6: {  	[sflag:s8] =	ssyncset.done $0x0  }
0xd7: {  	[sflag:s8] =	ssyncadd.s32 $0xFFFF8000  }
0xd8: {  	_ =	swait.ge [sflag:s19], $0x8000  }
0xd9: {  	p0 =	sne.s32 s7, $0x1;
	[sflag:s19] =	ssyncset.done $0x0  }
.Ltmp0:
0xda: {  	s0 =	rddreg [dreg:$0x7];
	[sflag:s19] =	ssyncadd.s32 $0xFFFF8000;
	(pc) =	sbr.rel @p0 .LBB2_1-.Ltmp0, $4  }
0xdb: {  	[hbm4b:s0+s3] =	stream.linear.scatter [tilespmem:s18], [sflag:$0x3], $0x8000, $0x38;
	[tilespmem:$0x10080] =	vst v63  }
0xdc: {  	_ =	swait.ge [sflag:s8], $0x8000  }
0xdd: {  	[sflag:s8] =	ssyncset.done $0x0  }
0xde: {  	s7 =	sadd.s32 $0xFFFFFFFF, s7;
	[sflag:s8] =	ssyncadd.s32 $0xFFFF8000  }
0xdf: {  	_ =	sfence.sel $0x180000  }
0xe0: {  	[bflag:$0x0] =	sbarrier.arrive $0xFFFF  }
0xe1: {  	_ =	strace $0x90000047  }
0xe2: {  	s0 =	stileid.u32;
	[bflag:$0x2] =	sbarrier.arrive $0xFFFF  }
0xe3: {  	p0 =	sne.s32 s0, $0x0;
	s0 =	rddreg [dreg:$0x2]  }
0xe4: {  	s0 =	sadd.s32 @!p0 $0x100000, s0  }
0xe5: {  	[sflag:s0] =	ssyncadd.tile.s32 @!p0 $0x1;
	_ =	shalt  }
.Lfunc_end2:
_tile_overlayer_lowered:
.L_overlay_start_2:
0xe6: {  	(tag) =	ssettag $0x2  }
0xe7: {  	s0 =	rddreg [dreg:$0x0];
	s2 =	stileid.u32  }
0xe8: {  	s1 =	rddreg [dreg:$0x1];
	p0 =	sne.s32 s2, $0x0  }
0xe9: {  	s3 =	rddreg [dreg:$0x2];
	[bflag:$0x3] =	sbarrier.arrive $0xFFFF;
	s2 =	simm.s32 @!p0 $0x1C03  }
0xea: {  	[timem:s3], [sflag:s2] =	dma.local @!p0 [hbm:s0], s1  }
0xeb: {  	s0 =	simm.s32 @!p0 $0x3  }
0xec: {  	_ =	swait.ge @!p0 [sflag:s0], s1  }
0xed: {  	s1 =	ssub.s32 @!p0 $0x0, s1;
	[sflag:s0] =	ssyncset.done @!p0 $0x0  }
0xee: {  	[sflag:s0] =	ssyncadd.s32 @!p0 s1  }
0xef: {  	[bflag:$0x3] =	sbarrier.arrive $0xFFFF  }
0xf0: {  	_ =	shalt  }

</sc_bundles>
